<compile_context>
chip_gen: v7x
topology: tpu7x:2x2x1
jax: 0.10.2.dev20260603
libtpu: 0.0.44.dev20260713+nightly
codegen_flags: <defaults>
</compile_context>

<pallas_src>
import functools
import jax
import jax.numpy as jnp
from jax import lax
from jax.experimental import pallas as pl
from jax.experimental.pallas import tpu as pltpu
from jax.experimental.pallas import tpu_sc as plsc

B = 16384
D = 64
NC, NS = 2, 16
NW = NC * NS
CHUNK = B // NW
_TWO_PI = 6.283185307179586
BLK = 512


DP = 2 * D
SUB = 256
NSUB = CHUNK // SUB


def _pad_body(t_ref, o_ref):
    o_ref[:, :D] = t_ref[:].T
    o_ref[:, D:] = jnp.zeros_like(o_ref[:, D:])


def _pad_table(table_t, blk):
    n = table_t.shape[1]
    return pl.pallas_call(
        _pad_body,
        grid=((n + blk - 1) // blk,),
        in_specs=[pl.BlockSpec((D, blk), lambda i: (0, i))],
        out_specs=pl.BlockSpec((blk, DP), lambda i: (i, 0)),
        out_shape=jax.ShapeDtypeStruct((n, DP), jnp.float32),
    )(table_t)


def _sc_gather_body(g_idx, m_idx, g_tab, m_tab, rows, *scratch):
    idxb = scratch[0:2]
    bufs = scratch[2:4]
    gsems = scratch[4:6]
    ssems = scratch[6:8]
    wid = lax.axis_index("s") * NC + lax.axis_index("c")
    base = wid * CHUNK
    jobs = []
    for slot in range(6):
        idx_hbm = g_idx if slot < 3 else m_idx
        tab = g_tab if slot < 3 else m_tab
        for k in range(NSUB):
            jobs.append((slot, idx_hbm, (slot % 3) * B + k * SUB, tab,
                         k * SUB))
    sds = [None, None]
    prev = None
    for j, (slot, idx_hbm, off, tab, sub) in enumerate(jobs):
        b = j % 2
        if sds[b] is not None:
            sds[b].wait()
        pltpu.sync_copy(idx_hbm.at[pl.ds(off + base, SUB)], idxb[b])
        gd = pltpu.async_copy(tab.at[idxb[b]], bufs[b], gsems[b])
        if prev is not None:
            pgd, pslot, psub, pb = prev
            pgd.wait()
            sds[pb] = pltpu.async_copy(
                bufs[pb], rows.at[pslot, pl.ds(base + psub, SUB)], ssems[pb])
        prev = (gd, slot, sub, b)
    pgd, pslot, psub, pb = prev
    pgd.wait()
    sds[pb] = pltpu.async_copy(bufs[pb],
                               rows.at[pslot, pl.ds(base + psub, SUB)],
                               ssems[pb])
    for sd in sds:
        if sd is not None:
            sd.wait()


@functools.cache
def _sc_gather():
    return pl.kernel(
        _sc_gather_body,
        out_type=jax.ShapeDtypeStruct((6, B, DP), jnp.float32),
        mesh=plsc.VectorSubcoreMesh(core_axis_name="c", subcore_axis_name="s",
                                    num_cores=NC, num_subcores=NS),
        scratch_types=(
            [pltpu.VMEM((SUB,), jnp.int32) for _ in range(2)]
            + [pltpu.VMEM((SUB, DP), jnp.float32) for _ in range(2)]
            + [pltpu.SemaphoreType.DMA] * 4
        ),
        compiler_params=pltpu.CompilerParams(use_tc_tiling_on_sc=True),
    )


_SMALLS = [(2, 4), (3, 16), (4, 256), (5, 1024), (6, 384)]


def _tc_assemble_body(time_ref, xt_t_ref, dose_ref,
                      ri_ref, ai_ref, ci_ref, ei_ref, wi_ref,
                      rt_ref, at_ref, ct_ref, et_ref, wt_ref,
                      ft_ref, fd_ref, rows_ref, o_ref):
    f_t = ft_ref[:]
    t = time_ref[:]
    ang = _TWO_PI * f_t * t[None, :]
    o_ref[0, : D // 2, :] = jnp.sin(ang)
    o_ref[0, D // 2 :, :] = jnp.cos(ang)
    o_ref[1] = xt_t_ref[:]
    idx_refs = [ri_ref, ai_ref, ci_ref, ei_ref, wi_ref]
    tab_refs = [rt_ref, at_ref, ct_ref, et_ref, wt_ref]
    for k, (slot, R) in enumerate(_SMALLS):
        idx = idx_refs[k][:]
        onehot = (idx[None, :] == lax.broadcasted_iota(jnp.int32, (R, BLK), 0)
                  ).astype(jnp.float32)
        o_ref[slot] = jnp.dot(tab_refs[k][:], onehot,
                              preferred_element_type=jnp.float32)
    for j in range(6):
        o_ref[7 + j] = rows_ref[j, :, :D].T
    f_d = fd_ref[:]
    dv = dose_ref[:]
    for j in range(3):
        angd = _TWO_PI * f_d * dv[j][None, :]
        o_ref[13 + j, : D // 2, :] = jnp.sin(angd)
        o_ref[13 + j, D // 2 :, :] = jnp.cos(angd)


def _tc_assemble(time, xt_t, doses2, r_i, a_i, c_i, e_i, w_i,
                 rt, at, ct, et, wt, ft, fd, rows):
    grid = (B // BLK,)
    ispec = [
        pl.BlockSpec((BLK,), lambda i: (i,)),
        pl.BlockSpec((D, BLK), lambda i: (0, i)),
        pl.BlockSpec((3, BLK), lambda i: (0, i)),
    ] + [pl.BlockSpec((BLK,), lambda i: (i,)) for _ in range(5)] + [
        pl.BlockSpec((D, R), lambda i: (0, 0)) for _, R in _SMALLS
    ] + [
        pl.BlockSpec((D // 2, 1), lambda i: (0, 0)),
        pl.BlockSpec((D // 2, 1), lambda i: (0, 0)),
        pl.BlockSpec((6, BLK, DP), lambda i: (0, i, 0)),
    ]
    return pl.pallas_call(
        _tc_assemble_body,
        grid=grid,
        in_specs=ispec,
        out_specs=pl.BlockSpec((16, D, BLK), lambda i: (0, 0, i)),
        out_shape=jax.ShapeDtypeStruct((16, D, B), jnp.float32),
    )(time, xt_t, doses2, r_i, a_i, c_i, e_i, w_i,
      rt, at, ct, et, wt, ft.reshape(D // 2, 1), fd.reshape(D // 2, 1), rows)


def kernel(time, xt, routing_idx, assay_idx, cell_type_idx, experiment_idx,
           well_idx, gene_pert_idx, mol_pert_idx, mol_doses,
           routing_table, assay_table, cell_type_table, experiment_table,
           well_table, gene_table, mol_table,
           fourier_freqs_time, fourier_freqs_dose):
    gene128 = _pad_table(gene_table.T, 2048)
    mol128 = _pad_table(mol_table.T, 2048)
    rows3 = _sc_gather()(gene_pert_idx, mol_pert_idx, gene128, mol128)
    out_t = _tc_assemble(time, xt.T, mol_doses.reshape(3, B),
                         routing_idx, assay_idx, cell_type_idx,
                         experiment_idx, well_idx,
                         routing_table.T, assay_table.T, cell_type_table.T,
                         experiment_table.T, well_table.T,
                         fourier_freqs_time, fourier_freqs_dose, rows3)
    return jnp.swapaxes(out_t, 1, 2)

# --- scband reference (transcript-rebuilt; emitter-appended) ---
"""Pipeline reference for scband-base-conditioning-84533546320502 (READ-ONLY COPY).

The authoritative reference and input builder live on the scoring server;
editing this copy changes nothing except your own understanding.
"""

import jax, jax.numpy as jnp
import numpy as np

B = 16384
D = 64


def _fourier(x, freqs):
    # x: [...], freqs: [D//2] -> [..., D]
    ang = 2.0 * jnp.pi * x[..., None] * freqs
    return jnp.concatenate([jnp.sin(ang), jnp.cos(ang)], axis=-1)


def setup_inputs(seed: int = 0) -> dict:
    key = jax.random.key(seed)
    ks = jax.random.split(key, 20)
    inp = {}
    # forward args
    inp["time"] = jax.random.uniform(ks[0], (B,), dtype=jnp.float32)
    inp["xt"] = jax.random.normal(ks[1], (B, D), dtype=jnp.float32)
    inp["routing_idx"] = jax.random.randint(ks[2], (B,), 0, 4, dtype=jnp.int32)
    inp["assay_idx"] = jax.random.randint(ks[3], (B,), 0, 16, dtype=jnp.int32)
    inp["cell_type_idx"] = jax.random.randint(ks[4], (B,), 0, 256, dtype=jnp.int32)
    inp["experiment_idx"] = jax.random.randint(ks[5], (B,), 0, 1024, dtype=jnp.int32)
    inp["well_idx"] = jax.random.randint(ks[6], (B,), 0, 384, dtype=jnp.int32)
    inp["gene_pert_idx"] = jax.random.randint(ks[7], (3 * B,), 0, 100000, dtype=jnp.int32)
    inp["mol_pert_idx"] = jax.random.randint(ks[8], (3 * B,), 0, 1000000, dtype=jnp.int32)
    inp["mol_doses"] = jax.random.uniform(ks[9], (3 * B,), dtype=jnp.float32)
    # learned parameters (embedding tables for one-hot embedders, fourier frequencies)
    inp["routing_table"] = jax.random.normal(ks[10], (4, D), dtype=jnp.float32) * 0.02
    inp["assay_table"] = jax.random.normal(ks[11], (16, D), dtype=jnp.float32) * 0.02
    inp["cell_type_table"] = jax.random.normal(ks[12], (256, D), dtype=jnp.float32) * 0.02
    inp["experiment_table"] = jax.random.normal(ks[13], (1024, D), dtype=jnp.float32) * 0.02
    inp["well_table"] = jax.random.normal(ks[14], (384, D), dtype=jnp.float32) * 0.02
    inp["gene_table"] = jax.random.normal(ks[15], (100000, D), dtype=jnp.float32) * 0.02
    inp["mol_table"] = jax.random.normal(ks[16], (1000000, D), dtype=jnp.float32) * 0.02
    inp["fourier_freqs_time"] = jax.random.normal(ks[17], (D // 2,), dtype=jnp.float32)  # bandwidth=1
    inp["fourier_freqs_dose"] = jax.random.normal(ks[18], (D // 2,), dtype=jnp.float32)  # bandwidth=1
    return inp


def reference(time, xt, routing_idx, assay_idx, cell_type_idx, experiment_idx,
              well_idx, gene_pert_idx, mol_pert_idx, mol_doses,
              routing_table, assay_table, cell_type_table, experiment_table,
              well_table, gene_table, mol_table,
              fourier_freqs_time, fourier_freqs_dose):
    d = gene_table.shape[-1]
    # per-sample covariate embedders (time: fourier, xt: identity, rest: one-hot tables)
    time_emb = _fourier(time, fourier_freqs_time)                     # [B, D]
    xt_emb = xt                                                        # [B, D] identity
    routing_emb = jnp.take(routing_table, routing_idx, axis=0)
    assay_emb = jnp.take(assay_table, assay_idx, axis=0)
    cell_emb = jnp.take(cell_type_table, cell_type_idx, axis=0)
    exp_emb = jnp.take(experiment_table, experiment_idx, axis=0)
    well_emb = jnp.take(well_table, well_idx, axis=0)
    # perturbation lookups (3 padded slots per sample) + view(3, -1, d) as in original
    gene_emb = jnp.take(gene_table, gene_pert_idx, axis=0).reshape(3, -1, d)
    mol_emb = jnp.take(mol_table, mol_pert_idx, axis=0).reshape(3, -1, d)
    dose_emb = _fourier(mol_doses, fourier_freqs_dose).reshape(3, -1, d)
    per_sample = jnp.stack([time_emb, xt_emb, routing_emb, assay_emb,
                            cell_emb, exp_emb, well_emb], axis=0)      # [7, B, D]
    out = jnp.concatenate([per_sample, gene_emb, mol_emb, dose_emb], axis=0)  # [16, B, D]
    return out

if __name__ == "__main__":
    import jax
    _d = setup_inputs()
    print(jax.jit(kernel)(*tuple(_d.values())))

</pallas_src>

<mosaic_0001>
#map = affine_map<(d0, d1) -> (0)>
#map1 = affine_map<(d0, d1) -> (0, 0)>
#map2 = affine_map<(d0, d1) -> (0, 0, 0)>
module attributes {stable_mosaic.version = 14 : i64} {
  func.func @_sc_gather_body(%arg0: i32, %arg1: i32, %arg2: memref<49152xi32, #tpu.memory_space<hbm>>, %arg3: memref<49152xi32, #tpu.memory_space<hbm>>, %arg4: memref<100000x128xf32, #tpu.memory_space<hbm>>, %arg5: memref<1000000x128xf32, #tpu.memory_space<hbm>>, %arg6: memref<6x16384x128xf32, #tpu.memory_space<hbm>>, %arg7: memref<256xi32, #tpu.memory_space<vmem>>, %arg8: memref<256xi32, #tpu.memory_space<vmem>>, %arg9: memref<256x128xf32, #tpu.memory_space<vmem>>, %arg10: memref<256x128xf32, #tpu.memory_space<vmem>>, %arg11: memref<!tpu.dma_semaphore, #tpu.memory_space<semaphore_mem>>, %arg12: memref<!tpu.dma_semaphore, #tpu.memory_space<semaphore_mem>>, %arg13: memref<!tpu.dma_semaphore, #tpu.memory_space<semaphore_mem>>, %arg14: memref<!tpu.dma_semaphore, #tpu.memory_space<semaphore_mem>>) attributes {dimension_semantics = [#tpu.dimension_semantics<core_parallel>, #tpu.dimension_semantics<subcore_parallel>], iteration_bounds = array<i64: 2, 16>, scalar_prefetch = 0 : i64, scratch_operands = 8 : i64, tpu.core_type = #tpu.core_type<sc_vector_subcore>, window_params = [{transform_indices = #map}, {transform_indices = #map}, {transform_indices = #map1}, {transform_indices = #map1}, {transform_indices = #map2}]} {
    %mul3A = arith.constant 2 : i32
    %mul3A_0 = arith.muli %arg1, %mul3A : i32
    %add3A = arith.addi %mul3A_0, %arg0 : i32
    %mul3A_1 = arith.constant 512 : i32
    %mul3A_2 = arith.muli %add3A, %mul3A_1 : i32
    %add3A_3 = arith.constant 0 : i32
    %add3A_4 = arith.addi %add3A_3, %mul3A_2 : i32
    "tpu.region"() ({
      %run_scoped3A = tpu.sem_alloc : memref<!tpu.dma_semaphore, #tpu.memory_space<semaphore_mem>>
      %dma_start3A_289 = tpu.memref_slice %arg2[%add3A_4] : memref<49152xi32, #tpu.memory_space<hbm>> -> memref<256xi32, #tpu.memory_space<hbm>>
      %dma_start3A_290 = tpu.memref_slice %arg2[%add3A_4] : memref<49152xi32, #tpu.memory_space<hbm>> -> memref<256xi32, #tpu.memory_space<hbm>>
      tpu.enqueue_dma source(%dma_start3A_290 : memref<256xi32, #tpu.memory_space<hbm>>) target(%arg7 : memref<256xi32, #tpu.memory_space<vmem>>) target_semaphore(%run_scoped3A : memref<!tpu.dma_semaphore, #tpu.memory_space<semaphore_mem>>)
      %dma_wait3A_291 = tpu.memref_slice %arg2[%add3A_4] : memref<49152xi32, #tpu.memory_space<hbm>> -> memref<256xi32, #tpu.memory_space<hbm>>
      %dma_wait3A_292 = tpu.memref_slice %arg2[%add3A_4] : memref<49152xi32, #tpu.memory_space<hbm>> -> memref<256xi32, #tpu.memory_space<hbm>>
      tpu.wait_dma2 semaphore(%run_scoped3A : memref<!tpu.dma_semaphore, #tpu.memory_space<semaphore_mem>>) src(%dma_wait3A_292 : memref<256xi32, #tpu.memory_space<hbm>>) dst(%arg7 : memref<256xi32, #tpu.memory_space<vmem>>)
      tpu.yield
    }) : () -> ()
    %dma_start3A = arith.constant 0 : i32
    %dma_start3A_5 = arith.constant 0 : i32
    %dma_start3A_6 = tpu.memref_slice %arg4[%dma_start3A, %dma_start3A_5] : memref<100000x128xf32, #tpu.memory_space<hbm>> -> memref<100000x128xf32, #tpu.memory_space<hbm>>
    tpu.enqueue_indirect_dma source(%dma_start3A_6 : memref<100000x128xf32, #tpu.memory_space<hbm>>) target(%arg9 : memref<256x128xf32, #tpu.memory_space<vmem>>) offsets(%arg7 : memref<256xi32, #tpu.memory_space<vmem>>) semaphore(%arg11 : memref<!tpu.dma_semaphore, #tpu.memory_space<semaphore_mem>>)
    %add3A_7 = arith.constant 256 : i32
    %add3A_8 = arith.addi %add3A_7, %mul3A_2 : i32
    "tpu.region"() ({
      %run_scoped3A = tpu.sem_alloc : memref<!tpu.dma_semaphore, #tpu.memory_space<semaphore_mem>>
      %dma_start3A_289 = tpu.memref_slice %arg2[%add3A_8] : memref<49152xi32, #tpu.memory_space<hbm>> -> memref<256xi32, #tpu.memory_space<hbm>>
      %dma_start3A_290 = tpu.memref_slice %arg2[%add3A_8] : memref<49152xi32, #tpu.memory_space<hbm>> -> memref<256xi32, #tpu.memory_space<hbm>>
      tpu.enqueue_dma source(%dma_start3A_290 : memref<256xi32, #tpu.memory_space<hbm>>) target(%arg8 : memref<256xi32, #tpu.memory_space<vmem>>) target_semaphore(%run_scoped3A : memref<!tpu.dma_semaphore, #tpu.memory_space<semaphore_mem>>)
      %dma_wait3A_291 = tpu.memref_slice %arg2[%add3A_8] : memref<49152xi32, #tpu.memory_space<hbm>> -> memref<256xi32, #tpu.memory_space<hbm>>
      %dma_wait3A_292 = tpu.memref_slice %arg2[%add3A_8] : memref<49152xi32, #tpu.memory_space<hbm>> -> memref<256xi32, #tpu.memory_space<hbm>>
      tpu.wait_dma2 semaphore(%run_scoped3A : memref<!tpu.dma_semaphore, #tpu.memory_space<semaphore_mem>>) src(%dma_wait3A_292 : memref<256xi32, #tpu.memory_space<hbm>>) dst(%arg8 : memref<256xi32, #tpu.memory_space<vmem>>)
      tpu.yield
    }) : () -> ()
    %dma_start3A_9 = arith.constant 0 : i32
    %dma_start3A_10 = arith.constant 0 : i32
    %dma_start3A_11 = tpu.memref_slice %arg4[%dma_start3A_9, %dma_start3A_10] : memref<100000x128xf32, #tpu.memory_space<hbm>> -> memref<100000x128xf32, #tpu.memory_space<hbm>>
    tpu.enqueue_indirect_dma source(%dma_start3A_11 : memref<100000x128xf32, #tpu.memory_space<hbm>>) target(%arg10 : memref<256x128xf32, #tpu.memory_space<vmem>>) offsets(%arg8 : memref<256xi32, #tpu.memory_space<vmem>>) semaphore(%arg12 : memref<!tpu.dma_semaphore, #tpu.memory_space<semaphore_mem>>)
    %dma_wait3A = arith.constant 0 : i32
    %dma_wait3A_12 = arith.constant 0 : i32
    %dma_wait3A_13 = tpu.memref_slice %arg4[%dma_wait3A, %dma_wait3A_12] : memref<100000x128xf32, #tpu.memory_space<hbm>> -> memref<100000x128xf32, #tpu.memory_space<hbm>>
    tpu.wait_indirect_dma semaphore(%arg11 : memref<!tpu.dma_semaphore, #tpu.memory_space<semaphore_mem>>) src(%dma_wait3A_13 : memref<100000x128xf32, #tpu.memory_space<hbm>>) dst(%arg9 : memref<256x128xf32, #tpu.memory_space<vmem>>)
    %add3A_14 = arith.constant 0 : i32
    %add3A_15 = arith.addi %mul3A_2, %add3A_14 : i32
    %dma_start3A_16 = arith.constant 0 : i32
    %dma_start3A_17 = arith.constant 0 : i32
    %dma_start3A_18 = tpu.memref_slice %arg6[%dma_start3A_16, %add3A_15, %dma_start3A_17] : memref<6x16384x128xf32, #tpu.memory_space<hbm>> -> memref<1x256x128xf32, #tpu.memory_space<hbm>>
    %dma_start3A_19 = tpu.memref_squeeze %dma_start3A_18 : memref<1x256x128xf32, #tpu.memory_space<hbm>> -> memref<256x128xf32, #tpu.memory_space<hbm>>
    %dma_start3A_20 = arith.constant 0 : i32
    %dma_start3A_21 = tpu.memref_slice %arg6[%dma_start3A_16, %add3A_15, %dma_start3A_20] : memref<6x16384x128xf32, #tpu.memory_space<hbm>> -> memref<1x256x128xf32, #tpu.memory_space<hbm>>
    %dma_start3A_22 = tpu.memref_squeeze %dma_start3A_21 : memref<1x256x128xf32, #tpu.memory_space<hbm>> -> memref<256x128xf32, #tpu.memory_space<hbm>>
    tpu.enqueue_dma source(%arg9 : memref<256x128xf32, #tpu.memory_space<vmem>>) target(%dma_start3A_22 : memref<256x128xf32, #tpu.memory_space<hbm>>) target_semaphore(%arg13 : memref<!tpu.dma_semaphore, #tpu.memory_space<semaphore_mem>>)
    %dma_wait3A_23 = arith.constant 0 : i32
    %dma_wait3A_24 = arith.constant 0 : i32
    %dma_wait3A_25 = tpu.memref_slice %arg6[%dma_wait3A_23, %add3A_15, %dma_wait3A_24] : memref<6x16384x128xf32, #tpu.memory_space<hbm>> -> memref<1x256x128xf32, #tpu.memory_space<hbm>>
    %dma_wait3A_26 = tpu.memref_squeeze %dma_wait3A_25 : memref<1x256x128xf32, #tpu.memory_space<hbm>> -> memref<256x128xf32, #tpu.memory_space<hbm>>
    %dma_wait3A_27 = arith.constant 0 : i32
    %dma_wait3A_28 = tpu.memref_slice %arg6[%dma_wait3A_23, %add3A_15, %dma_wait3A_27] : memref<6x16384x128xf32, #tpu.memory_space<hbm>> -> memref<1x256x128xf32, #tpu.memory_space<hbm>>
    %dma_wait3A_29 = tpu.memref_squeeze %dma_wait3A_28 : memref<1x256x128xf32, #tpu.memory_space<hbm>> -> memref<256x128xf32, #tpu.memory_space<hbm>>
    tpu.wait_dma2 semaphore(%arg13 : memref<!tpu.dma_semaphore, #tpu.memory_space<semaphore_mem>>) src(%arg9 : memref<256x128xf32, #tpu.memory_space<vmem>>) dst(%dma_wait3A_29 : memref<256x128xf32, #tpu.memory_space<hbm>>)
    %add3A_30 = arith.constant 16384 : i32
    %add3A_31 = arith.addi %add3A_30, %mul3A_2 : i32
    "tpu.region"() ({
      %run_scoped3A = tpu.sem_alloc : memref<!tpu.dma_semaphore, #tpu.memory_space<semaphore_mem>>
      %dma_start3A_289 = tpu.memref_slice %arg2[%add3A_31] : memref<49152xi32, #tpu.memory_space<hbm>> -> memref<256xi32, #tpu.memory_space<hbm>>
      %dma_start3A_290 = tpu.memref_slice %arg2[%add3A_31] : memref<49152xi32, #tpu.memory_space<hbm>> -> memref<256xi32, #tpu.memory_space<hbm>>
      tpu.enqueue_dma source(%dma_start3A_290 : memref<256xi32, #tpu.memory_space<hbm>>) target(%arg7 : memref<256xi32, #tpu.memory_space<vmem>>) target_semaphore(%run_scoped3A : memref<!tpu.dma_semaphore, #tpu.memory_space<semaphore_mem>>)
      %dma_wait3A_291 = tpu.memref_slice %arg2[%add3A_31] : memref<49152xi32, #tpu.memory_space<hbm>> -> memref<256xi32, #tpu.memory_space<hbm>>
      %dma_wait3A_292 = tpu.memref_slice %arg2[%add3A_31] : memref<49152xi32, #tpu.memory_space<hbm>> -> memref<256xi32, #tpu.memory_space<hbm>>
      tpu.wait_dma2 semaphore(%run_scoped3A : memref<!tpu.dma_semaphore, #tpu.memory_space<semaphore_mem>>) src(%dma_wait3A_292 : memref<256xi32, #tpu.memory_space<hbm>>) dst(%arg7 : memref<256xi32, #tpu.memory_space<vmem>>)
      tpu.yield
    }) : () -> ()
    %dma_start3A_32 = arith.constant 0 : i32
    %dma_start3A_33 = arith.constant 0 : i32
    %dma_start3A_34 = tpu.memref_slice %arg4[%dma_start3A_32, %dma_start3A_33] : memref<100000x128xf32, #tpu.memory_space<hbm>> -> memref<100000x128xf32, #tpu.memory_space<hbm>>
    tpu.enqueue_indirect_dma source(%dma_start3A_34 : memref<100000x128xf32, #tpu.memory_space<hbm>>) target(%arg9 : memref<256x128xf32, #tpu.memory_space<vmem>>) offsets(%arg7 : memref<256xi32, #tpu.memory_space<vmem>>) semaphore(%arg11 : memref<!tpu.dma_semaphore, #tpu.memory_space<semaphore_mem>>)
    %dma_wait3A_35 = arith.constant 0 : i32
    %dma_wait3A_36 = arith.constant 0 : i32
    %dma_wait3A_37 = tpu.memref_slice %arg4[%dma_wait3A_35, %dma_wait3A_36] : memref<100000x128xf32, #tpu.memory_space<hbm>> -> memref<100000x128xf32, #tpu.memory_space<hbm>>
    tpu.wait_indirect_dma semaphore(%arg12 : memref<!tpu.dma_semaphore, #tpu.memory_space<semaphore_mem>>) src(%dma_wait3A_37 : memref<100000x128xf32, #tpu.memory_space<hbm>>) dst(%arg10 : memref<256x128xf32, #tpu.memory_space<vmem>>)
    %add3A_38 = arith.constant 256 : i32
    %add3A_39 = arith.addi %mul3A_2, %add3A_38 : i32
    %dma_start3A_40 = arith.constant 0 : i32
    %dma_start3A_41 = arith.constant 0 : i32
    %dma_start3A_42 = tpu.memref_slice %arg6[%dma_start3A_40, %add3A_39, %dma_start3A_41] : memref<6x16384x128xf32, #tpu.memory_space<hbm>> -> memref<1x256x128xf32, #tpu.memory_space<hbm>>
    %dma_start3A_43 = tpu.memref_squeeze %dma_start3A_42 : memref<1x256x128xf32, #tpu.memory_space<hbm>> -> memref<256x128xf32, #tpu.memory_space<hbm>>
    %dma_start3A_44 = arith.constant 0 : i32
    %dma_start3A_45 = tpu.memref_slice %arg6[%dma_start3A_40, %add3A_39, %dma_start3A_44] : memref<6x16384x128xf32, #tpu.memory_space<hbm>> -> memref<1x256x128xf32, #tpu.memory_space<hbm>>
    %dma_start3A_46 = tpu.memref_squeeze %dma_start3A_45 : memref<1x256x128xf32, #tpu.memory_space<hbm>> -> memref<256x128xf32, #tpu.memory_space<hbm>>
    tpu.enqueue_dma source(%arg10 : memref<256x128xf32, #tpu.memory_space<vmem>>) target(%dma_start3A_46 : memref<256x128xf32, #tpu.memory_space<hbm>>) target_semaphore(%arg14 : memref<!tpu.dma_semaphore, #tpu.memory_space<semaphore_mem>>)
    %dma_wait3A_47 = arith.constant 0 : i32
    %dma_wait3A_48 = arith.constant 0 : i32
    %dma_wait3A_49 = tpu.memref_slice %arg6[%dma_wait3A_47, %add3A_39, %dma_wait3A_48] : memref<6x16384x128xf32, #tpu.memory_space<hbm>> -> memref<1x256x128xf32, #tpu.memory_space<hbm>>
    %dma_wait3A_50 = tpu.memref_squeeze %dma_wait3A_49 : memref<1x256x128xf32, #tpu.memory_space<hbm>> -> memref<256x128xf32, #tpu.memory_space<hbm>>
    %dma_wait3A_51 = arith.constant 0 : i32
    %dma_wait3A_52 = tpu.memref_slice %arg6[%dma_wait3A_47, %add3A_39, %dma_wait3A_51] : memref<6x16384x128xf32, #tpu.memory_space<hbm>> -> memref<1x256x128xf32, #tpu.memory_space<hbm>>
    %dma_wait3A_53 = tpu.memref_squeeze %dma_wait3A_52 : memref<1x256x128xf32, #tpu.memory_space<hbm>> -> memref<256x128xf32, #tpu.memory_space<hbm>>
    tpu.wait_dma2 semaphore(%arg14 : memref<!tpu.dma_semaphore, #tpu.memory_space<semaphore_mem>>) src(%arg10 : memref<256x128xf32, #tpu.memory_space<vmem>>) dst(%dma_wait3A_53 : memref<256x128xf32, #tpu.memory_space<hbm>>)
    %add3A_54 = arith.constant 16640 : i32
    %add3A_55 = arith.addi %add3A_54, %mul3A_2 : i32
    "tpu.region"() ({
      %run_scoped3A = tpu.sem_alloc : memref<!tpu.dma_semaphore, #tpu.memory_space<semaphore_mem>>
      %dma_start3A_289 = tpu.memref_slice %arg2[%add3A_55] : memref<49152xi32, #tpu.memory_space<hbm>> -> memref<256xi32, #tpu.memory_space<hbm>>
      %dma_start3A_290 = tpu.memref_slice %arg2[%add3A_55] : memref<49152xi32, #tpu.memory_space<hbm>> -> memref<256xi32, #tpu.memory_space<hbm>>
      tpu.enqueue_dma source(%dma_start3A_290 : memref<256xi32, #tpu.memory_space<hbm>>) target(%arg8 : memref<256xi32, #tpu.memory_space<vmem>>) target_semaphore(%run_scoped3A : memref<!tpu.dma_semaphore, #tpu.memory_space<semaphore_mem>>)
      %dma_wait3A_291 = tpu.memref_slice %arg2[%add3A_55] : memref<49152xi32, #tpu.memory_space<hbm>> -> memref<256xi32, #tpu.memory_space<hbm>>
      %dma_wait3A_292 = tpu.memref_slice %arg2[%add3A_55] : memref<49152xi32, #tpu.memory_space<hbm>> -> memref<256xi32, #tpu.memory_space<hbm>>
      tpu.wait_dma2 semaphore(%run_scoped3A : memref<!tpu.dma_semaphore, #tpu.memory_space<semaphore_mem>>) src(%dma_wait3A_292 : memref<256xi32, #tpu.memory_space<hbm>>) dst(%arg8 : memref<256xi32, #tpu.memory_space<vmem>>)
      tpu.yield
    }) : () -> ()
    %dma_start3A_56 = arith.constant 0 : i32
    %dma_start3A_57 = arith.constant 0 : i32
    %dma_start3A_58 = tpu.memref_slice %arg4[%dma_start3A_56, %dma_start3A_57] : memref<100000x128xf32, #tpu.memory_space<hbm>> -> memref<100000x128xf32, #tpu.memory_space<hbm>>
    tpu.enqueue_indirect_dma source(%dma_start3A_58 : memref<100000x128xf32, #tpu.memory_space<hbm>>) target(%arg10 : memref<256x128xf32, #tpu.memory_space<vmem>>) offsets(%arg8 : memref<256xi32, #tpu.memory_space<vmem>>) semaphore(%arg12 : memref<!tpu.dma_semaphore, #tpu.memory_space<semaphore_mem>>)
    %dma_wait3A_59 = arith.constant 0 : i32
    %dma_wait3A_60 = arith.constant 0 : i32
    %dma_wait3A_61 = tpu.memref_slice %arg4[%dma_wait3A_59, %dma_wait3A_60] : memref<100000x128xf32, #tpu.memory_space<hbm>> -> memref<100000x128xf32, #tpu.memory_space<hbm>>
    tpu.wait_indirect_dma semaphore(%arg11 : memref<!tpu.dma_semaphore, #tpu.memory_space<semaphore_mem>>) src(%dma_wait3A_61 : memref<100000x128xf32, #tpu.memory_space<hbm>>) dst(%arg9 : memref<256x128xf32, #tpu.memory_space<vmem>>)
    %add3A_62 = arith.constant 0 : i32
    %add3A_63 = arith.addi %mul3A_2, %add3A_62 : i32
    %dma_start3A_64 = arith.constant 1 : i32
    %dma_start3A_65 = arith.constant 0 : i32
    %dma_start3A_66 = tpu.memref_slice %arg6[%dma_start3A_64, %add3A_63, %dma_start3A_65] : memref<6x16384x128xf32, #tpu.memory_space<hbm>> -> memref<1x256x128xf32, #tpu.memory_space<hbm>>
    %dma_start3A_67 = tpu.memref_squeeze %dma_start3A_66 : memref<1x256x128xf32, #tpu.memory_space<hbm>> -> memref<256x128xf32, #tpu.memory_space<hbm>>
    %dma_start3A_68 = arith.constant 0 : i32
    %dma_start3A_69 = tpu.memref_slice %arg6[%dma_start3A_64, %add3A_63, %dma_start3A_68] : memref<6x16384x128xf32, #tpu.memory_space<hbm>> -> memref<1x256x128xf32, #tpu.memory_space<hbm>>
    %dma_start3A_70 = tpu.memref_squeeze %dma_start3A_69 : memref<1x256x128xf32, #tpu.memory_space<hbm>> -> memref<256x128xf32, #tpu.memory_space<hbm>>
    tpu.enqueue_dma source(%arg9 : memref<256x128xf32, #tpu.memory_space<vmem>>) target(%dma_start3A_70 : memref<256x128xf32, #tpu.memory_space<hbm>>) target_semaphore(%arg13 : memref<!tpu.dma_semaphore, #tpu.memory_space<semaphore_mem>>)
    %dma_wait3A_71 = arith.constant 1 : i32
    %dma_wait3A_72 = arith.constant 0 : i32
    %dma_wait3A_73 = tpu.memref_slice %arg6[%dma_wait3A_71, %add3A_63, %dma_wait3A_72] : memref<6x16384x128xf32, #tpu.memory_space<hbm>> -> memref<1x256x128xf32, #tpu.memory_space<hbm>>
    %dma_wait3A_74 = tpu.memref_squeeze %dma_wait3A_73 : memref<1x256x128xf32, #tpu.memory_space<hbm>> -> memref<256x128xf32, #tpu.memory_space<hbm>>
    %dma_wait3A_75 = arith.constant 0 : i32
    %dma_wait3A_76 = tpu.memref_slice %arg6[%dma_wait3A_71, %add3A_63, %dma_wait3A_75] : memref<6x16384x128xf32, #tpu.memory_space<hbm>> -> memref<1x256x128xf32, #tpu.memory_space<hbm>>
    %dma_wait3A_77 = tpu.memref_squeeze %dma_wait3A_76 : memref<1x256x128xf32, #tpu.memory_space<hbm>> -> memref<256x128xf32, #tpu.memory_space<hbm>>
    tpu.wait_dma2 semaphore(%arg13 : memref<!tpu.dma_semaphore, #tpu.memory_space<semaphore_mem>>) src(%arg9 : memref<256x128xf32, #tpu.memory_space<vmem>>) dst(%dma_wait3A_77 : memref<256x128xf32, #tpu.memory_space<hbm>>)
    %add3A_78 = arith.constant 32768 : i32
    %add3A_79 = arith.addi %add3A_78, %mul3A_2 : i32
    "tpu.region"() ({
      %run_scoped3A = tpu.sem_alloc : memref<!tpu.dma_semaphore, #tpu.memory_space<semaphore_mem>>
      %dma_start3A_289 = tpu.memref_slice %arg2[%add3A_79] : memref<49152xi32, #tpu.memory_space<hbm>> -> memref<256xi32, #tpu.memory_space<hbm>>
      %dma_start3A_290 = tpu.memref_slice %arg2[%add3A_79] : memref<49152xi32, #tpu.memory_space<hbm>> -> memref<256xi32, #tpu.memory_space<hbm>>
      tpu.enqueue_dma source(%dma_start3A_290 : memref<256xi32, #tpu.memory_space<hbm>>) target(%arg7 : memref<256xi32, #tpu.memory_space<vmem>>) target_semaphore(%run_scoped3A : memref<!tpu.dma_semaphore, #tpu.memory_space<semaphore_mem>>)
      %dma_wait3A_291 = tpu.memref_slice %arg2[%add3A_79] : memref<49152xi32, #tpu.memory_space<hbm>> -> memref<256xi32, #tpu.memory_space<hbm>>
      %dma_wait3A_292 = tpu.memref_slice %arg2[%add3A_79] : memref<49152xi32, #tpu.memory_space<hbm>> -> memref<256xi32, #tpu.memory_space<hbm>>
      tpu.wait_dma2 semaphore(%run_scoped3A : memref<!tpu.dma_semaphore, #tpu.memory_space<semaphore_mem>>) src(%dma_wait3A_292 : memref<256xi32, #tpu.memory_space<hbm>>) dst(%arg7 : memref<256xi32, #tpu.memory_space<vmem>>)
      tpu.yield
    }) : () -> ()
    %dma_start3A_80 = arith.constant 0 : i32
    %dma_start3A_81 = arith.constant 0 : i32
    %dma_start3A_82 = tpu.memref_slice %arg4[%dma_start3A_80, %dma_start3A_81] : memref<100000x128xf32, #tpu.memory_space<hbm>> -> memref<100000x128xf32, #tpu.memory_space<hbm>>
    tpu.enqueue_indirect_dma source(%dma_start3A_82 : memref<100000x128xf32, #tpu.memory_space<hbm>>) target(%arg9 : memref<256x128xf32, #tpu.memory_space<vmem>>) offsets(%arg7 : memref<256xi32, #tpu.memory_space<vmem>>) semaphore(%arg11 : memref<!tpu.dma_semaphore, #tpu.memory_space<semaphore_mem>>)
    %dma_wait3A_83 = arith.constant 0 : i32
    %dma_wait3A_84 = arith.constant 0 : i32
    %dma_wait3A_85 = tpu.memref_slice %arg4[%dma_wait3A_83, %dma_wait3A_84] : memref<100000x128xf32, #tpu.memory_space<hbm>> -> memref<100000x128xf32, #tpu.memory_space<hbm>>
    tpu.wait_indirect_dma semaphore(%arg12 : memref<!tpu.dma_semaphore, #tpu.memory_space<semaphore_mem>>) src(%dma_wait3A_85 : memref<100000x128xf32, #tpu.memory_space<hbm>>) dst(%arg10 : memref<256x128xf32, #tpu.memory_space<vmem>>)
    %add3A_86 = arith.constant 256 : i32
    %add3A_87 = arith.addi %mul3A_2, %add3A_86 : i32
    %dma_start3A_88 = arith.constant 1 : i32
    %dma_start3A_89 = arith.constant 0 : i32
    %dma_start3A_90 = tpu.memref_slice %arg6[%dma_start3A_88, %add3A_87, %dma_start3A_89] : memref<6x16384x128xf32, #tpu.memory_space<hbm>> -> memref<1x256x128xf32, #tpu.memory_space<hbm>>
    %dma_start3A_91 = tpu.memref_squeeze %dma_start3A_90 : memref<1x256x128xf32, #tpu.memory_space<hbm>> -> memref<256x128xf32, #tpu.memory_space<hbm>>
    %dma_start3A_92 = arith.constant 0 : i32
    %dma_start3A_93 = tpu.memref_slice %arg6[%dma_start3A_88, %add3A_87, %dma_start3A_92] : memref<6x16384x128xf32, #tpu.memory_space<hbm>> -> memref<1x256x128xf32, #tpu.memory_space<hbm>>
    %dma_start3A_94 = tpu.memref_squeeze %dma_start3A_93 : memref<1x256x128xf32, #tpu.memory_space<hbm>> -> memref<256x128xf32, #tpu.memory_space<hbm>>
    tpu.enqueue_dma source(%arg10 : memref<256x128xf32, #tpu.memory_space<vmem>>) target(%dma_start3A_94 : memref<256x128xf32, #tpu.memory_space<hbm>>) target_semaphore(%arg14 : memref<!tpu.dma_semaphore, #tpu.memory_space<semaphore_mem>>)
    %dma_wait3A_95 = arith.constant 1 : i32
    %dma_wait3A_96 = arith.constant 0 : i32
    %dma_wait3A_97 = tpu.memref_slice %arg6[%dma_wait3A_95, %add3A_87, %dma_wait3A_96] : memref<6x16384x128xf32, #tpu.memory_space<hbm>> -> memref<1x256x128xf32, #tpu.memory_space<hbm>>
    %dma_wait3A_98 = tpu.memref_squeeze %dma_wait3A_97 : memref<1x256x128xf32, #tpu.memory_space<hbm>> -> memref<256x128xf32, #tpu.memory_space<hbm>>
    %dma_wait3A_99 = arith.constant 0 : i32
    %dma_wait3A_100 = tpu.memref_slice %arg6[%dma_wait3A_95, %add3A_87, %dma_wait3A_99] : memref<6x16384x128xf32, #tpu.memory_space<hbm>> -> memref<1x256x128xf32, #tpu.memory_space<hbm>>
    %dma_wait3A_101 = tpu.memref_squeeze %dma_wait3A_100 : memref<1x256x128xf32, #tpu.memory_space<hbm>> -> memref<256x128xf32, #tpu.memory_space<hbm>>
    tpu.wait_dma2 semaphore(%arg14 : memref<!tpu.dma_semaphore, #tpu.memory_space<semaphore_mem>>) src(%arg10 : memref<256x128xf32, #tpu.memory_space<vmem>>) dst(%dma_wait3A_101 : memref<256x128xf32, #tpu.memory_space<hbm>>)
    %add3A_102 = arith.constant 33024 : i32
    %add3A_103 = arith.addi %add3A_102, %mul3A_2 : i32
    "tpu.region"() ({
      %run_scoped3A = tpu.sem_alloc : memref<!tpu.dma_semaphore, #tpu.memory_space<semaphore_mem>>
      %dma_start3A_289 = tpu.memref_slice %arg2[%add3A_103] : memref<49152xi32, #tpu.memory_space<hbm>> -> memref<256xi32, #tpu.memory_space<hbm>>
      %dma_start3A_290 = tpu.memref_slice %arg2[%add3A_103] : memref<49152xi32, #tpu.memory_space<hbm>> -> memref<256xi32, #tpu.memory_space<hbm>>
      tpu.enqueue_dma source(%dma_start3A_290 : memref<256xi32, #tpu.memory_space<hbm>>) target(%arg8 : memref<256xi32, #tpu.memory_space<vmem>>) target_semaphore(%run_scoped3A : memref<!tpu.dma_semaphore, #tpu.memory_space<semaphore_mem>>)
      %dma_wait3A_291 = tpu.memref_slice %arg2[%add3A_103] : memref<49152xi32, #tpu.memory_space<hbm>> -> memref<256xi32, #tpu.memory_space<hbm>>
      %dma_wait3A_292 = tpu.memref_slice %arg2[%add3A_103] : memref<49152xi32, #tpu.memory_space<hbm>> -> memref<256xi32, #tpu.memory_space<hbm>>
      tpu.wait_dma2 semaphore(%run_scoped3A : memref<!tpu.dma_semaphore, #tpu.memory_space<semaphore_mem>>) src(%dma_wait3A_292 : memref<256xi32, #tpu.memory_space<hbm>>) dst(%arg8 : memref<256xi32, #tpu.memory_space<vmem>>)
      tpu.yield
    }) : () -> ()
    %dma_start3A_104 = arith.constant 0 : i32
    %dma_start3A_105 = arith.constant 0 : i32
    %dma_start3A_106 = tpu.memref_slice %arg4[%dma_start3A_104, %dma_start3A_105] : memref<100000x128xf32, #tpu.memory_space<hbm>> -> memref<100000x128xf32, #tpu.memory_space<hbm>>
    tpu.enqueue_indirect_dma source(%dma_start3A_106 : memref<100000x128xf32, #tpu.memory_space<hbm>>) target(%arg10 : memref<256x128xf32, #tpu.memory_space<vmem>>) offsets(%arg8 : memref<256xi32, #tpu.memory_space<vmem>>) semaphore(%arg12 : memref<!tpu.dma_semaphore, #tpu.memory_space<semaphore_mem>>)
    %dma_wait3A_107 = arith.constant 0 : i32
    %dma_wait3A_108 = arith.constant 0 : i32
    %dma_wait3A_109 = tpu.memref_slice %arg4[%dma_wait3A_107, %dma_wait3A_108] : memref<100000x128xf32, #tpu.memory_space<hbm>> -> memref<100000x128xf32, #tpu.memory_space<hbm>>
    tpu.wait_indirect_dma semaphore(%arg11 : memref<!tpu.dma_semaphore, #tpu.memory_space<semaphore_mem>>) src(%dma_wait3A_109 : memref<100000x128xf32, #tpu.memory_space<hbm>>) dst(%arg9 : memref<256x128xf32, #tpu.memory_space<vmem>>)
    %add3A_110 = arith.constant 0 : i32
    %add3A_111 = arith.addi %mul3A_2, %add3A_110 : i32
    %dma_start3A_112 = arith.constant 2 : i32
    %dma_start3A_113 = arith.constant 0 : i32
    %dma_start3A_114 = tpu.memref_slice %arg6[%dma_start3A_112, %add3A_111, %dma_start3A_113] : memref<6x16384x128xf32, #tpu.memory_space<hbm>> -> memref<1x256x128xf32, #tpu.memory_space<hbm>>
    %dma_start3A_115 = tpu.memref_squeeze %dma_start3A_114 : memref<1x256x128xf32, #tpu.memory_space<hbm>> -> memref<256x128xf32, #tpu.memory_space<hbm>>
    %dma_start3A_116 = arith.constant 0 : i32
    %dma_start3A_117 = tpu.memref_slice %arg6[%dma_start3A_112, %add3A_111, %dma_start3A_116] : memref<6x16384x128xf32, #tpu.memory_space<hbm>> -> memref<1x256x128xf32, #tpu.memory_space<hbm>>
    %dma_start3A_118 = tpu.memref_squeeze %dma_start3A_117 : memref<1x256x128xf32, #tpu.memory_space<hbm>> -> memref<256x128xf32, #tpu.memory_space<hbm>>
    tpu.enqueue_dma source(%arg9 : memref<256x128xf32, #tpu.memory_space<vmem>>) target(%dma_start3A_118 : memref<256x128xf32, #tpu.memory_space<hbm>>) target_semaphore(%arg13 : memref<!tpu.dma_semaphore, #tpu.memory_space<semaphore_mem>>)
    %dma_wait3A_119 = arith.constant 2 : i32
    %dma_wait3A_120 = arith.constant 0 : i32
    %dma_wait3A_121 = tpu.memref_slice %arg6[%dma_wait3A_119, %add3A_111, %dma_wait3A_120] : memref<6x16384x128xf32, #tpu.memory_space<hbm>> -> memref<1x256x128xf32, #tpu.memory_space<hbm>>
    %dma_wait3A_122 = tpu.memref_squeeze %dma_wait3A_121 : memref<1x256x128xf32, #tpu.memory_space<hbm>> -> memref<256x128xf32, #tpu.memory_space<hbm>>
    %dma_wait3A_123 = arith.constant 0 : i32
    %dma_wait3A_124 = tpu.memref_slice %arg6[%dma_wait3A_119, %add3A_111, %dma_wait3A_123] : memref<6x16384x128xf32, #tpu.memory_space<hbm>> -> memref<1x256x128xf32, #tpu.memory_space<hbm>>
    %dma_wait3A_125 = tpu.memref_squeeze %dma_wait3A_124 : memref<1x256x128xf32, #tpu.memory_space<hbm>> -> memref<256x128xf32, #tpu.memory_space<hbm>>
    tpu.wait_dma2 semaphore(%arg13 : memref<!tpu.dma_semaphore, #tpu.memory_space<semaphore_mem>>) src(%arg9 : memref<256x128xf32, #tpu.memory_space<vmem>>) dst(%dma_wait3A_125 : memref<256x128xf32, #tpu.memory_space<hbm>>)
    %add3A_126 = arith.constant 0 : i32
    %add3A_127 = arith.addi %add3A_126, %mul3A_2 : i32
    "tpu.region"() ({
      %run_scoped3A = tpu.sem_alloc : memref<!tpu.dma_semaphore, #tpu.memory_space<semaphore_mem>>
      %dma_start3A_289 = tpu.memref_slice %arg3[%add3A_127] : memref<49152xi32, #tpu.memory_space<hbm>> -> memref<256xi32, #tpu.memory_space<hbm>>
      %dma_start3A_290 = tpu.memref_slice %arg3[%add3A_127] : memref<49152xi32, #tpu.memory_space<hbm>> -> memref<256xi32, #tpu.memory_space<hbm>>
      tpu.enqueue_dma source(%dma_start3A_290 : memref<256xi32, #tpu.memory_space<hbm>>) target(%arg7 : memref<256xi32, #tpu.memory_space<vmem>>) target_semaphore(%run_scoped3A : memref<!tpu.dma_semaphore, #tpu.memory_space<semaphore_mem>>)
      %dma_wait3A_291 = tpu.memref_slice %arg3[%add3A_127] : memref<49152xi32, #tpu.memory_space<hbm>> -> memref<256xi32, #tpu.memory_space<hbm>>
      %dma_wait3A_292 = tpu.memref_slice %arg3[%add3A_127] : memref<49152xi32, #tpu.memory_space<hbm>> -> memref<256xi32, #tpu.memory_space<hbm>>
      tpu.wait_dma2 semaphore(%run_scoped3A : memref<!tpu.dma_semaphore, #tpu.memory_space<semaphore_mem>>) src(%dma_wait3A_292 : memref<256xi32, #tpu.memory_space<hbm>>) dst(%arg7 : memref<256xi32, #tpu.memory_space<vmem>>)
      tpu.yield
    }) : () -> ()
    %dma_start3A_128 = arith.constant 0 : i32
    %dma_start3A_129 = arith.constant 0 : i32
    %dma_start3A_130 = tpu.memref_slice %arg5[%dma_start3A_128, %dma_start3A_129] : memref<1000000x128xf32, #tpu.memory_space<hbm>> -> memref<1000000x128xf32, #tpu.memory_space<hbm>>
    tpu.enqueue_indirect_dma source(%dma_start3A_130 : memref<1000000x128xf32, #tpu.memory_space<hbm>>) target(%arg9 : memref<256x128xf32, #tpu.memory_space<vmem>>) offsets(%arg7 : memref<256xi32, #tpu.memory_space<vmem>>) semaphore(%arg11 : memref<!tpu.dma_semaphore, #tpu.memory_space<semaphore_mem>>)
    %dma_wait3A_131 = arith.constant 0 : i32
    %dma_wait3A_132 = arith.constant 0 : i32
    %dma_wait3A_133 = tpu.memref_slice %arg4[%dma_wait3A_131, %dma_wait3A_132] : memref<100000x128xf32, #tpu.memory_space<hbm>> -> memref<100000x128xf32, #tpu.memory_space<hbm>>
    tpu.wait_indirect_dma semaphore(%arg12 : memref<!tpu.dma_semaphore, #tpu.memory_space<semaphore_mem>>) src(%dma_wait3A_133 : memref<100000x128xf32, #tpu.memory_space<hbm>>) dst(%arg10 : memref<256x128xf32, #tpu.memory_space<vmem>>)
    %add3A_134 = arith.constant 256 : i32
    %add3A_135 = arith.addi %mul3A_2, %add3A_134 : i32
    %dma_start3A_136 = arith.constant 2 : i32
    %dma_start3A_137 = arith.constant 0 : i32
    %dma_start3A_138 = tpu.memref_slice %arg6[%dma_start3A_136, %add3A_135, %dma_start3A_137] : memref<6x16384x128xf32, #tpu.memory_space<hbm>> -> memref<1x256x128xf32, #tpu.memory_space<hbm>>
    %dma_start3A_139 = tpu.memref_squeeze %dma_start3A_138 : memref<1x256x128xf32, #tpu.memory_space<hbm>> -> memref<256x128xf32, #tpu.memory_space<hbm>>
    %dma_start3A_140 = arith.constant 0 : i32
    %dma_start3A_141 = tpu.memref_slice %arg6[%dma_start3A_136, %add3A_135, %dma_start3A_140] : memref<6x16384x128xf32, #tpu.memory_space<hbm>> -> memref<1x256x128xf32, #tpu.memory_space<hbm>>
    %dma_start3A_142 = tpu.memref_squeeze %dma_start3A_141 : memref<1x256x128xf32, #tpu.memory_space<hbm>> -> memref<256x128xf32, #tpu.memory_space<hbm>>
    tpu.enqueue_dma source(%arg10 : memref<256x128xf32, #tpu.memory_space<vmem>>) target(%dma_start3A_142 : memref<256x128xf32, #tpu.memory_space<hbm>>) target_semaphore(%arg14 : memref<!tpu.dma_semaphore, #tpu.memory_space<semaphore_mem>>)
    %dma_wait3A_143 = arith.constant 2 : i32
    %dma_wait3A_144 = arith.constant 0 : i32
    %dma_wait3A_145 = tpu.memref_slice %arg6[%dma_wait3A_143, %add3A_135, %dma_wait3A_144] : memref<6x16384x128xf32, #tpu.memory_space<hbm>> -> memref<1x256x128xf32, #tpu.memory_space<hbm>>
    %dma_wait3A_146 = tpu.memref_squeeze %dma_wait3A_145 : memref<1x256x128xf32, #tpu.memory_space<hbm>> -> memref<256x128xf32, #tpu.memory_space<hbm>>
    %dma_wait3A_147 = arith.constant 0 : i32
    %dma_wait3A_148 = tpu.memref_slice %arg6[%dma_wait3A_143, %add3A_135, %dma_wait3A_147] : memref<6x16384x128xf32, #tpu.memory_space<hbm>> -> memref<1x256x128xf32, #tpu.memory_space<hbm>>
    %dma_wait3A_149 = tpu.memref_squeeze %dma_wait3A_148 : memref<1x256x128xf32, #tpu.memory_space<hbm>> -> memref<256x128xf32, #tpu.memory_space<hbm>>
    tpu.wait_dma2 semaphore(%arg14 : memref<!tpu.dma_semaphore, #tpu.memory_space<semaphore_mem>>) src(%arg10 : memref<256x128xf32, #tpu.memory_space<vmem>>) dst(%dma_wait3A_149 : memref<256x128xf32, #tpu.memory_space<hbm>>)
    %add3A_150 = arith.constant 256 : i32
    %add3A_151 = arith.addi %add3A_150, %mul3A_2 : i32
    "tpu.region"() ({
      %run_scoped3A = tpu.sem_alloc : memref<!tpu.dma_semaphore, #tpu.memory_space<semaphore_mem>>
      %dma_start3A_289 = tpu.memref_slice %arg3[%add3A_151] : memref<49152xi32, #tpu.memory_space<hbm>> -> memref<256xi32, #tpu.memory_space<hbm>>
      %dma_start3A_290 = tpu.memref_slice %arg3[%add3A_151] : memref<49152xi32, #tpu.memory_space<hbm>> -> memref<256xi32, #tpu.memory_space<hbm>>
      tpu.enqueue_dma source(%dma_start3A_290 : memref<256xi32, #tpu.memory_space<hbm>>) target(%arg8 : memref<256xi32, #tpu.memory_space<vmem>>) target_semaphore(%run_scoped3A : memref<!tpu.dma_semaphore, #tpu.memory_space<semaphore_mem>>)
      %dma_wait3A_291 = tpu.memref_slice %arg3[%add3A_151] : memref<49152xi32, #tpu.memory_space<hbm>> -> memref<256xi32, #tpu.memory_space<hbm>>
      %dma_wait3A_292 = tpu.memref_slice %arg3[%add3A_151] : memref<49152xi32, #tpu.memory_space<hbm>> -> memref<256xi32, #tpu.memory_space<hbm>>
      tpu.wait_dma2 semaphore(%run_scoped3A : memref<!tpu.dma_semaphore, #tpu.memory_space<semaphore_mem>>) src(%dma_wait3A_292 : memref<256xi32, #tpu.memory_space<hbm>>) dst(%arg8 : memref<256xi32, #tpu.memory_space<vmem>>)
      tpu.yield
    }) : () -> ()
    %dma_start3A_152 = arith.constant 0 : i32
    %dma_start3A_153 = arith.constant 0 : i32
    %dma_start3A_154 = tpu.memref_slice %arg5[%dma_start3A_152, %dma_start3A_153] : memref<1000000x128xf32, #tpu.memory_space<hbm>> -> memref<1000000x128xf32, #tpu.memory_space<hbm>>
    tpu.enqueue_indirect_dma source(%dma_start3A_154 : memref<1000000x128xf32, #tpu.memory_space<hbm>>) target(%arg10 : memref<256x128xf32, #tpu.memory_space<vmem>>) offsets(%arg8 : memref<256xi32, #tpu.memory_space<vmem>>) semaphore(%arg12 : memref<!tpu.dma_semaphore, #tpu.memory_space<semaphore_mem>>)
    %dma_wait3A_155 = arith.constant 0 : i32
    %dma_wait3A_156 = arith.constant 0 : i32
    %dma_wait3A_157 = tpu.memref_slice %arg5[%dma_wait3A_155, %dma_wait3A_156] : memref<1000000x128xf32, #tpu.memory_space<hbm>> -> memref<1000000x128xf32, #tpu.memory_space<hbm>>
    tpu.wait_indirect_dma semaphore(%arg11 : memref<!tpu.dma_semaphore, #tpu.memory_space<semaphore_mem>>) src(%dma_wait3A_157 : memref<1000000x128xf32, #tpu.memory_space<hbm>>) dst(%arg9 : memref<256x128xf32, #tpu.memory_space<vmem>>)
    %add3A_158 = arith.constant 0 : i32
    %add3A_159 = arith.addi %mul3A_2, %add3A_158 : i32
    %dma_start3A_160 = arith.constant 3 : i32
    %dma_start3A_161 = arith.constant 0 : i32
    %dma_start3A_162 = tpu.memref_slice %arg6[%dma_start3A_160, %add3A_159, %dma_start3A_161] : memref<6x16384x128xf32, #tpu.memory_space<hbm>> -> memref<1x256x128xf32, #tpu.memory_space<hbm>>
    %dma_start3A_163 = tpu.memref_squeeze %dma_start3A_162 : memref<1x256x128xf32, #tpu.memory_space<hbm>> -> memref<256x128xf32, #tpu.memory_space<hbm>>
    %dma_start3A_164 = arith.constant 0 : i32
    %dma_start3A_165 = tpu.memref_slice %arg6[%dma_start3A_160, %add3A_159, %dma_start3A_164] : memref<6x16384x128xf32, #tpu.memory_space<hbm>> -> memref<1x256x128xf32, #tpu.memory_space<hbm>>
    %dma_start3A_166 = tpu.memref_squeeze %dma_start3A_165 : memref<1x256x128xf32, #tpu.memory_space<hbm>> -> memref<256x128xf32, #tpu.memory_space<hbm>>
    tpu.enqueue_dma source(%arg9 : memref<256x128xf32, #tpu.memory_space<vmem>>) target(%dma_start3A_166 : memref<256x128xf32, #tpu.memory_space<hbm>>) target_semaphore(%arg13 : memref<!tpu.dma_semaphore, #tpu.memory_space<semaphore_mem>>)
    %dma_wait3A_167 = arith.constant 3 : i32
    %dma_wait3A_168 = arith.constant 0 : i32
    %dma_wait3A_169 = tpu.memref_slice %arg6[%dma_wait3A_167, %add3A_159, %dma_wait3A_168] : memref<6x16384x128xf32, #tpu.memory_space<hbm>> -> memref<1x256x128xf32, #tpu.memory_space<hbm>>
    %dma_wait3A_170 = tpu.memref_squeeze %dma_wait3A_169 : memref<1x256x128xf32, #tpu.memory_space<hbm>> -> memref<256x128xf32, #tpu.memory_space<hbm>>
    %dma_wait3A_171 = arith.constant 0 : i32
    %dma_wait3A_172 = tpu.memref_slice %arg6[%dma_wait3A_167, %add3A_159, %dma_wait3A_171] : memref<6x16384x128xf32, #tpu.memory_space<hbm>> -> memref<1x256x128xf32, #tpu.memory_space<hbm>>
    %dma_wait3A_173 = tpu.memref_squeeze %dma_wait3A_172 : memref<1x256x128xf32, #tpu.memory_space<hbm>> -> memref<256x128xf32, #tpu.memory_space<hbm>>
    tpu.wait_dma2 semaphore(%arg13 : memref<!tpu.dma_semaphore, #tpu.memory_space<semaphore_mem>>) src(%arg9 : memref<256x128xf32, #tpu.memory_space<vmem>>) dst(%dma_wait3A_173 : memref<256x128xf32, #tpu.memory_space<hbm>>)
    %add3A_174 = arith.constant 16384 : i32
    %add3A_175 = arith.addi %add3A_174, %mul3A_2 : i32
    "tpu.region"() ({
      %run_scoped3A = tpu.sem_alloc : memref<!tpu.dma_semaphore, #tpu.memory_space<semaphore_mem>>
      %dma_start3A_289 = tpu.memref_slice %arg3[%add3A_175] : memref<49152xi32, #tpu.memory_space<hbm>> -> memref<256xi32, #tpu.memory_space<hbm>>
      %dma_start3A_290 = tpu.memref_slice %arg3[%add3A_175] : memref<49152xi32, #tpu.memory_space<hbm>> -> memref<256xi32, #tpu.memory_space<hbm>>
      tpu.enqueue_dma source(%dma_start3A_290 : memref<256xi32, #tpu.memory_space<hbm>>) target(%arg7 : memref<256xi32, #tpu.memory_space<vmem>>) target_semaphore(%run_scoped3A : memref<!tpu.dma_semaphore, #tpu.memory_space<semaphore_mem>>)
      %dma_wait3A_291 = tpu.memref_slice %arg3[%add3A_175] : memref<49152xi32, #tpu.memory_space<hbm>> -> memref<256xi32, #tpu.memory_space<hbm>>
      %dma_wait3A_292 = tpu.memref_slice %arg3[%add3A_175] : memref<49152xi32, #tpu.memory_space<hbm>> -> memref<256xi32, #tpu.memory_space<hbm>>
      tpu.wait_dma2 semaphore(%run_scoped3A : memref<!tpu.dma_semaphore, #tpu.memory_space<semaphore_mem>>) src(%dma_wait3A_292 : memref<256xi32, #tpu.memory_space<hbm>>) dst(%arg7 : memref<256xi32, #tpu.memory_space<vmem>>)
      tpu.yield
    }) : () -> ()
    %dma_start3A_176 = arith.constant 0 : i32
    %dma_start3A_177 = arith.constant 0 : i32
    %dma_start3A_178 = tpu.memref_slice %arg5[%dma_start3A_176, %dma_start3A_177] : memref<1000000x128xf32, #tpu.memory_space<hbm>> -> memref<1000000x128xf32, #tpu.memory_space<hbm>>
    tpu.enqueue_indirect_dma source(%dma_start3A_178 : memref<1000000x128xf32, #tpu.memory_space<hbm>>) target(%arg9 : memref<256x128xf32, #tpu.memory_space<vmem>>) offsets(%arg7 : memref<256xi32, #tpu.memory_space<vmem>>) semaphore(%arg11 : memref<!tpu.dma_semaphore, #tpu.memory_space<semaphore_mem>>)
    %dma_wait3A_179 = arith.constant 0 : i32
    %dma_wait3A_180 = arith.constant 0 : i32
    %dma_wait3A_181 = tpu.memref_slice %arg5[%dma_wait3A_179, %dma_wait3A_180] : memref<1000000x128xf32, #tpu.memory_space<hbm>> -> memref<1000000x128xf32, #tpu.memory_space<hbm>>
    tpu.wait_indirect_dma semaphore(%arg12 : memref<!tpu.dma_semaphore, #tpu.memory_space<semaphore_mem>>) src(%dma_wait3A_181 : memref<1000000x128xf32, #tpu.memory_space<hbm>>) dst(%arg10 : memref<256x128xf32, #tpu.memory_space<vmem>>)
    %add3A_182 = arith.constant 256 : i32
    %add3A_183 = arith.addi %mul3A_2, %add3A_182 : i32
    %dma_start3A_184 = arith.constant 3 : i32
    %dma_start3A_185 = arith.constant 0 : i32
    %dma_start3A_186 = tpu.memref_slice %arg6[%dma_start3A_184, %add3A_183, %dma_start3A_185] : memref<6x16384x128xf32, #tpu.memory_space<hbm>> -> memref<1x256x128xf32, #tpu.memory_space<hbm>>
    %dma_start3A_187 = tpu.memref_squeeze %dma_start3A_186 : memref<1x256x128xf32, #tpu.memory_space<hbm>> -> memref<256x128xf32, #tpu.memory_space<hbm>>
    %dma_start3A_188 = arith.constant 0 : i32
    %dma_start3A_189 = tpu.memref_slice %arg6[%dma_start3A_184, %add3A_183, %dma_start3A_188] : memref<6x16384x128xf32, #tpu.memory_space<hbm>> -> memref<1x256x128xf32, #tpu.memory_space<hbm>>
    %dma_start3A_190 = tpu.memref_squeeze %dma_start3A_189 : memref<1x256x128xf32, #tpu.memory_space<hbm>> -> memref<256x128xf32, #tpu.memory_space<hbm>>
    tpu.enqueue_dma source(%arg10 : memref<256x128xf32, #tpu.memory_space<vmem>>) target(%dma_start3A_190 : memref<256x128xf32, #tpu.memory_space<hbm>>) target_semaphore(%arg14 : memref<!tpu.dma_semaphore, #tpu.memory_space<semaphore_mem>>)
    %dma_wait3A_191 = arith.constant 3 : i32
    %dma_wait3A_192 = arith.constant 0 : i32
    %dma_wait3A_193 = tpu.memref_slice %arg6[%dma_wait3A_191, %add3A_183, %dma_wait3A_192] : memref<6x16384x128xf32, #tpu.memory_space<hbm>> -> memref<1x256x128xf32, #tpu.memory_space<hbm>>
    %dma_wait3A_194 = tpu.memref_squeeze %dma_wait3A_193 : memref<1x256x128xf32, #tpu.memory_space<hbm>> -> memref<256x128xf32, #tpu.memory_space<hbm>>
    %dma_wait3A_195 = arith.constant 0 : i32
    %dma_wait3A_196 = tpu.memref_slice %arg6[%dma_wait3A_191, %add3A_183, %dma_wait3A_195] : memref<6x16384x128xf32, #tpu.memory_space<hbm>> -> memref<1x256x128xf32, #tpu.memory_space<hbm>>
    %dma_wait3A_197 = tpu.memref_squeeze %dma_wait3A_196 : memref<1x256x128xf32, #tpu.memory_space<hbm>> -> memref<256x128xf32, #tpu.memory_space<hbm>>
    tpu.wait_dma2 semaphore(%arg14 : memref<!tpu.dma_semaphore, #tpu.memory_space<semaphore_mem>>) src(%arg10 : memref<256x128xf32, #tpu.memory_space<vmem>>) dst(%dma_wait3A_197 : memref<256x128xf32, #tpu.memory_space<hbm>>)
    %add3A_198 = arith.constant 16640 : i32
    %add3A_199 = arith.addi %add3A_198, %mul3A_2 : i32
    "tpu.region"() ({
      %run_scoped3A = tpu.sem_alloc : memref<!tpu.dma_semaphore, #tpu.memory_space<semaphore_mem>>
      %dma_start3A_289 = tpu.memref_slice %arg3[%add3A_199] : memref<49152xi32, #tpu.memory_space<hbm>> -> memref<256xi32, #tpu.memory_space<hbm>>
      %dma_start3A_290 = tpu.memref_slice %arg3[%add3A_199] : memref<49152xi32, #tpu.memory_space<hbm>> -> memref<256xi32, #tpu.memory_space<hbm>>
      tpu.enqueue_dma source(%dma_start3A_290 : memref<256xi32, #tpu.memory_space<hbm>>) target(%arg8 : memref<256xi32, #tpu.memory_space<vmem>>) target_semaphore(%run_scoped3A : memref<!tpu.dma_semaphore, #tpu.memory_space<semaphore_mem>>)
      %dma_wait3A_291 = tpu.memref_slice %arg3[%add3A_199] : memref<49152xi32, #tpu.memory_space<hbm>> -> memref<256xi32, #tpu.memory_space<hbm>>
      %dma_wait3A_292 = tpu.memref_slice %arg3[%add3A_199] : memref<49152xi32, #tpu.memory_space<hbm>> -> memref<256xi32, #tpu.memory_space<hbm>>
      tpu.wait_dma2 semaphore(%run_scoped3A : memref<!tpu.dma_semaphore, #tpu.memory_space<semaphore_mem>>) src(%dma_wait3A_292 : memref<256xi32, #tpu.memory_space<hbm>>) dst(%arg8 : memref<256xi32, #tpu.memory_space<vmem>>)
      tpu.yield
    }) : () -> ()
    %dma_start3A_200 = arith.constant 0 : i32
    %dma_start3A_201 = arith.constant 0 : i32
    %dma_start3A_202 = tpu.memref_slice %arg5[%dma_start3A_200, %dma_start3A_201] : memref<1000000x128xf32, #tpu.memory_space<hbm>> -> memref<1000000x128xf32, #tpu.memory_space<hbm>>
    tpu.enqueue_indirect_dma source(%dma_start3A_202 : memref<1000000x128xf32, #tpu.memory_space<hbm>>) target(%arg10 : memref<256x128xf32, #tpu.memory_space<vmem>>) offsets(%arg8 : memref<256xi32, #tpu.memory_space<vmem>>) semaphore(%arg12 : memref<!tpu.dma_semaphore, #tpu.memory_space<semaphore_mem>>)
    %dma_wait3A_203 = arith.constant 0 : i32
    %dma_wait3A_204 = arith.constant 0 : i32
    %dma_wait3A_205 = tpu.memref_slice %arg5[%dma_wait3A_203, %dma_wait3A_204] : memref<1000000x128xf32, #tpu.memory_space<hbm>> -> memref<1000000x128xf32, #tpu.memory_space<hbm>>
    tpu.wait_indirect_dma semaphore(%arg11 : memref<!tpu.dma_semaphore, #tpu.memory_space<semaphore_mem>>) src(%dma_wait3A_205 : memref<1000000x128xf32, #tpu.memory_space<hbm>>) dst(%arg9 : memref<256x128xf32, #tpu.memory_space<vmem>>)
    %add3A_206 = arith.constant 0 : i32
    %add3A_207 = arith.addi %mul3A_2, %add3A_206 : i32
    %dma_start3A_208 = arith.constant 4 : i32
    %dma_start3A_209 = arith.constant 0 : i32
    %dma_start3A_210 = tpu.memref_slice %arg6[%dma_start3A_208, %add3A_207, %dma_start3A_209] : memref<6x16384x128xf32, #tpu.memory_space<hbm>> -> memref<1x256x128xf32, #tpu.memory_space<hbm>>
    %dma_start3A_211 = tpu.memref_squeeze %dma_start3A_210 : memref<1x256x128xf32, #tpu.memory_space<hbm>> -> memref<256x128xf32, #tpu.memory_space<hbm>>
    %dma_start3A_212 = arith.constant 0 : i32
    %dma_start3A_213 = tpu.memref_slice %arg6[%dma_start3A_208, %add3A_207, %dma_start3A_212] : memref<6x16384x128xf32, #tpu.memory_space<hbm>> -> memref<1x256x128xf32, #tpu.memory_space<hbm>>
    %dma_start3A_214 = tpu.memref_squeeze %dma_start3A_213 : memref<1x256x128xf32, #tpu.memory_space<hbm>> -> memref<256x128xf32, #tpu.memory_space<hbm>>
    tpu.enqueue_dma source(%arg9 : memref<256x128xf32, #tpu.memory_space<vmem>>) target(%dma_start3A_214 : memref<256x128xf32, #tpu.memory_space<hbm>>) target_semaphore(%arg13 : memref<!tpu.dma_semaphore, #tpu.memory_space<semaphore_mem>>)
    %dma_wait3A_215 = arith.constant 4 : i32
    %dma_wait3A_216 = arith.constant 0 : i32
    %dma_wait3A_217 = tpu.memref_slice %arg6[%dma_wait3A_215, %add3A_207, %dma_wait3A_216] : memref<6x16384x128xf32, #tpu.memory_space<hbm>> -> memref<1x256x128xf32, #tpu.memory_space<hbm>>
    %dma_wait3A_218 = tpu.memref_squeeze %dma_wait3A_217 : memref<1x256x128xf32, #tpu.memory_space<hbm>> -> memref<256x128xf32, #tpu.memory_space<hbm>>
    %dma_wait3A_219 = arith.constant 0 : i32
    %dma_wait3A_220 = tpu.memref_slice %arg6[%dma_wait3A_215, %add3A_207, %dma_wait3A_219] : memref<6x16384x128xf32, #tpu.memory_space<hbm>> -> memref<1x256x128xf32, #tpu.memory_space<hbm>>
    %dma_wait3A_221 = tpu.memref_squeeze %dma_wait3A_220 : memref<1x256x128xf32, #tpu.memory_space<hbm>> -> memref<256x128xf32, #tpu.memory_space<hbm>>
    tpu.wait_dma2 semaphore(%arg13 : memref<!tpu.dma_semaphore, #tpu.memory_space<semaphore_mem>>) src(%arg9 : memref<256x128xf32, #tpu.memory_space<vmem>>) dst(%dma_wait3A_221 : memref<256x128xf32, #tpu.memory_space<hbm>>)
    %add3A_222 = arith.constant 32768 : i32
    %add3A_223 = arith.addi %add3A_222, %mul3A_2 : i32
    "tpu.region"() ({
      %run_scoped3A = tpu.sem_alloc : memref<!tpu.dma_semaphore, #tpu.memory_space<semaphore_mem>>
      %dma_start3A_289 = tpu.memref_slice %arg3[%add3A_223] : memref<49152xi32, #tpu.memory_space<hbm>> -> memref<256xi32, #tpu.memory_space<hbm>>
      %dma_start3A_290 = tpu.memref_slice %arg3[%add3A_223] : memref<49152xi32, #tpu.memory_space<hbm>> -> memref<256xi32, #tpu.memory_space<hbm>>
      tpu.enqueue_dma source(%dma_start3A_290 : memref<256xi32, #tpu.memory_space<hbm>>) target(%arg7 : memref<256xi32, #tpu.memory_space<vmem>>) target_semaphore(%run_scoped3A : memref<!tpu.dma_semaphore, #tpu.memory_space<semaphore_mem>>)
      %dma_wait3A_291 = tpu.memref_slice %arg3[%add3A_223] : memref<49152xi32, #tpu.memory_space<hbm>> -> memref<256xi32, #tpu.memory_space<hbm>>
      %dma_wait3A_292 = tpu.memref_slice %arg3[%add3A_223] : memref<49152xi32, #tpu.memory_space<hbm>> -> memref<256xi32, #tpu.memory_space<hbm>>
      tpu.wait_dma2 semaphore(%run_scoped3A : memref<!tpu.dma_semaphore, #tpu.memory_space<semaphore_mem>>) src(%dma_wait3A_292 : memref<256xi32, #tpu.memory_space<hbm>>) dst(%arg7 : memref<256xi32, #tpu.memory_space<vmem>>)
      tpu.yield
    }) : () -> ()
    %dma_start3A_224 = arith.constant 0 : i32
    %dma_start3A_225 = arith.constant 0 : i32
    %dma_start3A_226 = tpu.memref_slice %arg5[%dma_start3A_224, %dma_start3A_225] : memref<1000000x128xf32, #tpu.memory_space<hbm>> -> memref<1000000x128xf32, #tpu.memory_space<hbm>>
    tpu.enqueue_indirect_dma source(%dma_start3A_226 : memref<1000000x128xf32, #tpu.memory_space<hbm>>) target(%arg9 : memref<256x128xf32, #tpu.memory_space<vmem>>) offsets(%arg7 : memref<256xi32, #tpu.memory_space<vmem>>) semaphore(%arg11 : memref<!tpu.dma_semaphore, #tpu.memory_space<semaphore_mem>>)
    %dma_wait3A_227 = arith.constant 0 : i32
    %dma_wait3A_228 = arith.constant 0 : i32
    %dma_wait3A_229 = tpu.memref_slice %arg5[%dma_wait3A_227, %dma_wait3A_228] : memref<1000000x128xf32, #tpu.memory_space<hbm>> -> memref<1000000x128xf32, #tpu.memory_space<hbm>>
    tpu.wait_indirect_dma semaphore(%arg12 : memref<!tpu.dma_semaphore, #tpu.memory_space<semaphore_mem>>) src(%dma_wait3A_229 : memref<1000000x128xf32, #tpu.memory_space<hbm>>) dst(%arg10 : memref<256x128xf32, #tpu.memory_space<vmem>>)
    %add3A_230 = arith.constant 256 : i32
    %add3A_231 = arith.addi %mul3A_2, %add3A_230 : i32
    %dma_start3A_232 = arith.constant 4 : i32
    %dma_start3A_233 = arith.constant 0 : i32
    %dma_start3A_234 = tpu.memref_slice %arg6[%dma_start3A_232, %add3A_231, %dma_start3A_233] : memref<6x16384x128xf32, #tpu.memory_space<hbm>> -> memref<1x256x128xf32, #tpu.memory_space<hbm>>
    %dma_start3A_235 = tpu.memref_squeeze %dma_start3A_234 : memref<1x256x128xf32, #tpu.memory_space<hbm>> -> memref<256x128xf32, #tpu.memory_space<hbm>>
    %dma_start3A_236 = arith.constant 0 : i32
    %dma_start3A_237 = tpu.memref_slice %arg6[%dma_start3A_232, %add3A_231, %dma_start3A_236] : memref<6x16384x128xf32, #tpu.memory_space<hbm>> -> memref<1x256x128xf32, #tpu.memory_space<hbm>>
    %dma_start3A_238 = tpu.memref_squeeze %dma_start3A_237 : memref<1x256x128xf32, #tpu.memory_space<hbm>> -> memref<256x128xf32, #tpu.memory_space<hbm>>
    tpu.enqueue_dma source(%arg10 : memref<256x128xf32, #tpu.memory_space<vmem>>) target(%dma_start3A_238 : memref<256x128xf32, #tpu.memory_space<hbm>>) target_semaphore(%arg14 : memref<!tpu.dma_semaphore, #tpu.memory_space<semaphore_mem>>)
    %dma_wait3A_239 = arith.constant 4 : i32
    %dma_wait3A_240 = arith.constant 0 : i32
    %dma_wait3A_241 = tpu.memref_slice %arg6[%dma_wait3A_239, %add3A_231, %dma_wait3A_240] : memref<6x16384x128xf32, #tpu.memory_space<hbm>> -> memref<1x256x128xf32, #tpu.memory_space<hbm>>
    %dma_wait3A_242 = tpu.memref_squeeze %dma_wait3A_241 : memref<1x256x128xf32, #tpu.memory_space<hbm>> -> memref<256x128xf32, #tpu.memory_space<hbm>>
    %dma_wait3A_243 = arith.constant 0 : i32
    %dma_wait3A_244 = tpu.memref_slice %arg6[%dma_wait3A_239, %add3A_231, %dma_wait3A_243] : memref<6x16384x128xf32, #tpu.memory_space<hbm>> -> memref<1x256x128xf32, #tpu.memory_space<hbm>>
    %dma_wait3A_245 = tpu.memref_squeeze %dma_wait3A_244 : memref<1x256x128xf32, #tpu.memory_space<hbm>> -> memref<256x128xf32, #tpu.memory_space<hbm>>
    tpu.wait_dma2 semaphore(%arg14 : memref<!tpu.dma_semaphore, #tpu.memory_space<semaphore_mem>>) src(%arg10 : memref<256x128xf32, #tpu.memory_space<vmem>>) dst(%dma_wait3A_245 : memref<256x128xf32, #tpu.memory_space<hbm>>)
    %add3A_246 = arith.constant 33024 : i32
    %add3A_247 = arith.addi %add3A_246, %mul3A_2 : i32
    "tpu.region"() ({
      %run_scoped3A = tpu.sem_alloc : memref<!tpu.dma_semaphore, #tpu.memory_space<semaphore_mem>>
      %dma_start3A_289 = tpu.memref_slice %arg3[%add3A_247] : memref<49152xi32, #tpu.memory_space<hbm>> -> memref<256xi32, #tpu.memory_space<hbm>>
      %dma_start3A_290 = tpu.memref_slice %arg3[%add3A_247] : memref<49152xi32, #tpu.memory_space<hbm>> -> memref<256xi32, #tpu.memory_space<hbm>>
      tpu.enqueue_dma source(%dma_start3A_290 : memref<256xi32, #tpu.memory_space<hbm>>) target(%arg8 : memref<256xi32, #tpu.memory_space<vmem>>) target_semaphore(%run_scoped3A : memref<!tpu.dma_semaphore, #tpu.memory_space<semaphore_mem>>)
      %dma_wait3A_291 = tpu.memref_slice %arg3[%add3A_247] : memref<49152xi32, #tpu.memory_space<hbm>> -> memref<256xi32, #tpu.memory_space<hbm>>
      %dma_wait3A_292 = tpu.memref_slice %arg3[%add3A_247] : memref<49152xi32, #tpu.memory_space<hbm>> -> memref<256xi32, #tpu.memory_space<hbm>>
      tpu.wait_dma2 semaphore(%run_scoped3A : memref<!tpu.dma_semaphore, #tpu.memory_space<semaphore_mem>>) src(%dma_wait3A_292 : memref<256xi32, #tpu.memory_space<hbm>>) dst(%arg8 : memref<256xi32, #tpu.memory_space<vmem>>)
      tpu.yield
    }) : () -> ()
    %dma_start3A_248 = arith.constant 0 : i32
    %dma_start3A_249 = arith.constant 0 : i32
    %dma_start3A_250 = tpu.memref_slice %arg5[%dma_start3A_248, %dma_start3A_249] : memref<1000000x128xf32, #tpu.memory_space<hbm>> -> memref<1000000x128xf32, #tpu.memory_space<hbm>>
    tpu.enqueue_indirect_dma source(%dma_start3A_250 : memref<1000000x128xf32, #tpu.memory_space<hbm>>) target(%arg10 : memref<256x128xf32, #tpu.memory_space<vmem>>) offsets(%arg8 : memref<256xi32, #tpu.memory_space<vmem>>) semaphore(%arg12 : memref<!tpu.dma_semaphore, #tpu.memory_space<semaphore_mem>>)
    %dma_wait3A_251 = arith.constant 0 : i32
    %dma_wait3A_252 = arith.constant 0 : i32
    %dma_wait3A_253 = tpu.memref_slice %arg5[%dma_wait3A_251, %dma_wait3A_252] : memref<1000000x128xf32, #tpu.memory_space<hbm>> -> memref<1000000x128xf32, #tpu.memory_space<hbm>>
    tpu.wait_indirect_dma semaphore(%arg11 : memref<!tpu.dma_semaphore, #tpu.memory_space<semaphore_mem>>) src(%dma_wait3A_253 : memref<1000000x128xf32, #tpu.memory_space<hbm>>) dst(%arg9 : memref<256x128xf32, #tpu.memory_space<vmem>>)
    %add3A_254 = arith.constant 0 : i32
    %add3A_255 = arith.addi %mul3A_2, %add3A_254 : i32
    %dma_start3A_256 = arith.constant 5 : i32
    %dma_start3A_257 = arith.constant 0 : i32
    %dma_start3A_258 = tpu.memref_slice %arg6[%dma_start3A_256, %add3A_255, %dma_start3A_257] : memref<6x16384x128xf32, #tpu.memory_space<hbm>> -> memref<1x256x128xf32, #tpu.memory_space<hbm>>
    %dma_start3A_259 = tpu.memref_squeeze %dma_start3A_258 : memref<1x256x128xf32, #tpu.memory_space<hbm>> -> memref<256x128xf32, #tpu.memory_space<hbm>>
    %dma_start3A_260 = arith.constant 0 : i32
    %dma_start3A_261 = tpu.memref_slice %arg6[%dma_start3A_256, %add3A_255, %dma_start3A_260] : memref<6x16384x128xf32, #tpu.memory_space<hbm>> -> memref<1x256x128xf32, #tpu.memory_space<hbm>>
    %dma_start3A_262 = tpu.memref_squeeze %dma_start3A_261 : memref<1x256x128xf32, #tpu.memory_space<hbm>> -> memref<256x128xf32, #tpu.memory_space<hbm>>
    tpu.enqueue_dma source(%arg9 : memref<256x128xf32, #tpu.memory_space<vmem>>) target(%dma_start3A_262 : memref<256x128xf32, #tpu.memory_space<hbm>>) target_semaphore(%arg13 : memref<!tpu.dma_semaphore, #tpu.memory_space<semaphore_mem>>)
    %dma_wait3A_263 = arith.constant 0 : i32
    %dma_wait3A_264 = arith.constant 0 : i32
    %dma_wait3A_265 = tpu.memref_slice %arg5[%dma_wait3A_263, %dma_wait3A_264] : memref<1000000x128xf32, #tpu.memory_space<hbm>> -> memref<1000000x128xf32, #tpu.memory_space<hbm>>
    tpu.wait_indirect_dma semaphore(%arg12 : memref<!tpu.dma_semaphore, #tpu.memory_space<semaphore_mem>>) src(%dma_wait3A_265 : memref<1000000x128xf32, #tpu.memory_space<hbm>>) dst(%arg10 : memref<256x128xf32, #tpu.memory_space<vmem>>)
    %add3A_266 = arith.constant 256 : i32
    %add3A_267 = arith.addi %mul3A_2, %add3A_266 : i32
    %dma_start3A_268 = arith.constant 5 : i32
    %dma_start3A_269 = arith.constant 0 : i32
    %dma_start3A_270 = tpu.memref_slice %arg6[%dma_start3A_268, %add3A_267, %dma_start3A_269] : memref<6x16384x128xf32, #tpu.memory_space<hbm>> -> memref<1x256x128xf32, #tpu.memory_space<hbm>>
    %dma_start3A_271 = tpu.memref_squeeze %dma_start3A_270 : memref<1x256x128xf32, #tpu.memory_space<hbm>> -> memref<256x128xf32, #tpu.memory_space<hbm>>
    %dma_start3A_272 = arith.constant 0 : i32
    %dma_start3A_273 = tpu.memref_slice %arg6[%dma_start3A_268, %add3A_267, %dma_start3A_272] : memref<6x16384x128xf32, #tpu.memory_space<hbm>> -> memref<1x256x128xf32, #tpu.memory_space<hbm>>
    %dma_start3A_274 = tpu.memref_squeeze %dma_start3A_273 : memref<1x256x128xf32, #tpu.memory_space<hbm>> -> memref<256x128xf32, #tpu.memory_space<hbm>>
    tpu.enqueue_dma source(%arg10 : memref<256x128xf32, #tpu.memory_space<vmem>>) target(%dma_start3A_274 : memref<256x128xf32, #tpu.memory_space<hbm>>) target_semaphore(%arg14 : memref<!tpu.dma_semaphore, #tpu.memory_space<semaphore_mem>>)
    %dma_wait3A_275 = arith.constant 5 : i32
    %dma_wait3A_276 = arith.constant 0 : i32
    %dma_wait3A_277 = tpu.memref_slice %arg6[%dma_wait3A_275, %add3A_255, %dma_wait3A_276] : memref<6x16384x128xf32, #tpu.memory_space<hbm>> -> memref<1x256x128xf32, #tpu.memory_space<hbm>>
    %dma_wait3A_278 = tpu.memref_squeeze %dma_wait3A_277 : memref<1x256x128xf32, #tpu.memory_space<hbm>> -> memref<256x128xf32, #tpu.memory_space<hbm>>
    %dma_wait3A_279 = arith.constant 0 : i32
    %dma_wait3A_280 = tpu.memref_slice %arg6[%dma_wait3A_275, %add3A_255, %dma_wait3A_279] : memref<6x16384x128xf32, #tpu.memory_space<hbm>> -> memref<1x256x128xf32, #tpu.memory_space<hbm>>
    %dma_wait3A_281 = tpu.memref_squeeze %dma_wait3A_280 : memref<1x256x128xf32, #tpu.memory_space<hbm>> -> memref<256x128xf32, #tpu.memory_space<hbm>>
    tpu.wait_dma2 semaphore(%arg13 : memref<!tpu.dma_semaphore, #tpu.memory_space<semaphore_mem>>) src(%arg9 : memref<256x128xf32, #tpu.memory_space<vmem>>) dst(%dma_wait3A_281 : memref<256x128xf32, #tpu.memory_space<hbm>>)
    %dma_wait3A_282 = arith.constant 5 : i32
    %dma_wait3A_283 = arith.constant 0 : i32
    %dma_wait3A_284 = tpu.memref_slice %arg6[%dma_wait3A_282, %add3A_267, %dma_wait3A_283] : memref<6x16384x128xf32, #tpu.memory_space<hbm>> -> memref<1x256x128xf32, #tpu.memory_space<hbm>>
    %dma_wait3A_285 = tpu.memref_squeeze %dma_wait3A_284 : memref<1x256x128xf32, #tpu.memory_space<hbm>> -> memref<256x128xf32, #tpu.memory_space<hbm>>
    %dma_wait3A_286 = arith.constant 0 : i32
    %dma_wait3A_287 = tpu.memref_slice %arg6[%dma_wait3A_282, %add3A_267, %dma_wait3A_286] : memref<6x16384x128xf32, #tpu.memory_space<hbm>> -> memref<1x256x128xf32, #tpu.memory_space<hbm>>
    %dma_wait3A_288 = tpu.memref_squeeze %dma_wait3A_287 : memref<1x256x128xf32, #tpu.memory_space<hbm>> -> memref<256x128xf32, #tpu.memory_space<hbm>>
    tpu.wait_dma2 semaphore(%arg14 : memref<!tpu.dma_semaphore, #tpu.memory_space<semaphore_mem>>) src(%arg10 : memref<256x128xf32, #tpu.memory_space<vmem>>) dst(%dma_wait3A_288 : memref<256x128xf32, #tpu.memory_space<hbm>>)
    return
  }
}

module attributes {stable_mosaic.version = 14 : i64} {
  func.func @_pad_body(%arg0: i32, %arg1: memref<64x2048xf32, #tpu.memory_space<vmem>>, %arg2: memref<2048x128xf32, #tpu.memory_space<vmem>>) attributes {dimension_semantics = [#tpu.dimension_semantics<arbitrary>], iteration_bounds = array<i64: 489>, scalar_prefetch = 0 : i64, scratch_operands = 0 : i64, tpu.core_type = #tpu.core_type<tc>, window_params = [{transform_indices = @transform_0, window_bounds = array<i64: 64, 2048>}, {transform_indices = @transform_1, window_bounds = array<i64: 2048, 128>}]} {
    %get3A = arith.constant 0 : index
    %get3A_0 = arith.constant 0 : index
    %get3A_1 = vector.load %arg1[%get3A, %get3A_0] : memref<64x2048xf32, #tpu.memory_space<vmem>>, vector<64x2048xf32>
    %transpose3A = tpu.transpose %get3A_1, [1, 0] : vector<64x2048xf32> -> vector<2048x64xf32>
    %swap3A = arith.constant 0 : index
    %swap3A_2 = arith.constant 0 : index
    %swap3A_3 = vector.load %arg2[%swap3A, %swap3A_2] : memref<2048x128xf32, #tpu.memory_space<vmem>>, vector<2048x64xf32>
    tpu.vector_store %arg2[%swap3A, %swap3A_2], %transpose3A {strides = array<i32>} : memref<2048x128xf32, #tpu.memory_space<vmem>>, vector<2048x64xf32>,
    %broadcast_in_dim3A = arith.constant 0.000000e+00 : f32
    %broadcast_in_dim3A_4 = vector.broadcast %broadcast_in_dim3A : f32 to vector<2048x64xf32>
    %swap3A_5 = arith.constant 0 : index
    %swap3A_6 = arith.constant 64 : index
    %swap3A_7 = vector.load %arg2[%swap3A_5, %swap3A_6] : memref<2048x128xf32, #tpu.memory_space<vmem>>, vector<2048x64xf32>
    tpu.vector_store %arg2[%swap3A_5, %swap3A_6], %broadcast_in_dim3A_4 {strides = array<i32>} : memref<2048x128xf32, #tpu.memory_space<vmem>>, vector<2048x64xf32>,
    return
  }
  func.func @transform_0(%arg0: i32) -> (i32, i32) {
    %c0_i32 = arith.constant 0 : i32
    %c0_i32_0 = arith.constant 0 : i32
    return %c0_i32, %arg0 : i32, i32
  }
  func.func @transform_1(%arg0: i32) -> (i32, i32) {
    %c0_i32 = arith.constant 0 : i32
    %c0_i32_0 = arith.constant 0 : i32
    return %arg0, %c0_i32 : i32, i32
  }
}

module attributes {stable_mosaic.version = 14 : i64} {
  func.func @_pad_body(%arg0: i32, %arg1: memref<64x2048xf32, #tpu.memory_space<vmem>>, %arg2: memref<2048x128xf32, #tpu.memory_space<vmem>>) attributes {dimension_semantics = [#tpu.dimension_semantics<arbitrary>], iteration_bounds = array<i64: 49>, scalar_prefetch = 0 : i64, scratch_operands = 0 : i64, tpu.core_type = #tpu.core_type<tc>, window_params = [{transform_indices = @transform_0, window_bounds = array<i64: 64, 2048>}, {transform_indices = @transform_1, window_bounds = array<i64: 2048, 128>}]} {
    %get3A = arith.constant 0 : index
    %get3A_0 = arith.constant 0 : index
    %get3A_1 = vector.load %arg1[%get3A, %get3A_0] : memref<64x2048xf32, #tpu.memory_space<vmem>>, vector<64x2048xf32>
    %transpose3A = tpu.transpose %get3A_1, [1, 0] : vector<64x2048xf32> -> vector<2048x64xf32>
    %swap3A = arith.constant 0 : index
    %swap3A_2 = arith.constant 0 : index
    %swap3A_3 = vector.load %arg2[%swap3A, %swap3A_2] : memref<2048x128xf32, #tpu.memory_space<vmem>>, vector<2048x64xf32>
    tpu.vector_store %arg2[%swap3A, %swap3A_2], %transpose3A {strides = array<i32>} : memref<2048x128xf32, #tpu.memory_space<vmem>>, vector<2048x64xf32>,
    %broadcast_in_dim3A = arith.constant 0.000000e+00 : f32
    %broadcast_in_dim3A_4 = vector.broadcast %broadcast_in_dim3A : f32 to vector<2048x64xf32>
    %swap3A_5 = arith.constant 0 : index
    %swap3A_6 = arith.constant 64 : index
    %swap3A_7 = vector.load %arg2[%swap3A_5, %swap3A_6] : memref<2048x128xf32, #tpu.memory_space<vmem>>, vector<2048x64xf32>
    tpu.vector_store %arg2[%swap3A_5, %swap3A_6], %broadcast_in_dim3A_4 {strides = array<i32>} : memref<2048x128xf32, #tpu.memory_space<vmem>>, vector<2048x64xf32>,
    return
  }
  func.func @transform_0(%arg0: i32) -> (i32, i32) {
    %c0_i32 = arith.constant 0 : i32
    %c0_i32_0 = arith.constant 0 : i32
    return %c0_i32, %arg0 : i32, i32
  }
  func.func @transform_1(%arg0: i32) -> (i32, i32) {
    %c0_i32 = arith.constant 0 : i32
    %c0_i32_0 = arith.constant 0 : i32
    return %arg0, %c0_i32 : i32, i32
  }
}

module attributes {stable_mosaic.version = 14 : i64} {
  func.func @_tc_assemble_body(%arg0: i32, %arg1: memref<512xf32, #tpu.memory_space<vmem>>, %arg2: memref<64x512xf32, #tpu.memory_space<vmem>>, %arg3: memref<3x512xf32, #tpu.memory_space<vmem>>, %arg4: memref<512xi32, #tpu.memory_space<vmem>>, %arg5: memref<512xi32, #tpu.memory_space<vmem>>, %arg6: memref<512xi32, #tpu.memory_space<vmem>>, %arg7: memref<512xi32, #tpu.memory_space<vmem>>, %arg8: memref<512xi32, #tpu.memory_space<vmem>>, %arg9: memref<64x4xf32, #tpu.memory_space<vmem>>, %arg10: memref<64x16xf32, #tpu.memory_space<vmem>>, %arg11: memref<64x256xf32, #tpu.memory_space<vmem>>, %arg12: memref<64x1024xf32, #tpu.memory_space<vmem>>, %arg13: memref<64x384xf32, #tpu.memory_space<vmem>>, %arg14: memref<32x1xf32, #tpu.memory_space<vmem>>, %arg15: memref<32x1xf32, #tpu.memory_space<vmem>>, %arg16: memref<6x512x128xf32, #tpu.memory_space<vmem>>, %arg17: memref<16x64x512xf32, #tpu.memory_space<vmem>>) attributes {dimension_semantics = [#tpu.dimension_semantics<arbitrary>], iteration_bounds = array<i64: 32>, scalar_prefetch = 0 : i64, scratch_operands = 0 : i64, tpu.core_type = #tpu.core_type<tc>, window_params = [{transform_indices = @transform_0, window_bounds = array<i64: 512>}, {transform_indices = @transform_1, window_bounds = array<i64: 64, 512>}, {transform_indices = @transform_2, window_bounds = array<i64: 3, 512>}, {transform_indices = @transform_3, window_bounds = array<i64: 512>}, {transform_indices = @transform_4, window_bounds = array<i64: 512>}, {transform_indices = @transform_5, window_bounds = array<i64: 512>}, {transform_indices = @transform_6, window_bounds = array<i64: 512>}, {transform_indices = @transform_7, window_bounds = array<i64: 512>}, {pipeline_mode = #tpu.pipeline_mode<synchronous>, transform_indices = @transform_8, window_bounds = array<i64: 64, 4>}, {pipeline_mode = #tpu.pipeline_mode<synchronous>, transform_indices = @transform_9, window_bounds = array<i64: 64, 16>}, {pipeline_mode = #tpu.pipeline_mode<synchronous>, transform_indices = @transform_10, window_bounds = array<i64: 64, 256>}, {pipeline_mode = #tpu.pipeline_mode<synchronous>, transform_indices = @transform_11, window_bounds = array<i64: 64, 1024>}, {pipeline_mode = #tpu.pipeline_mode<synchronous>, transform_indices = @transform_12, window_bounds = array<i64: 64, 384>}, {pipeline_mode = #tpu.pipeline_mode<synchronous>, transform_indices = @transform_13, window_bounds = array<i64: 32, 1>}, {pipeline_mode = #tpu.pipeline_mode<synchronous>, transform_indices = @transform_14, window_bounds = array<i64: 32, 1>}, {transform_indices = @transform_15, window_bounds = array<i64: 6, 512, 128>}, {transform_indices = @transform_16, window_bounds = array<i64: 16, 64, 512>}]} {
    %get3A = arith.constant 0 : index
    %get3A_0 = arith.constant 0 : index
    %get3A_1 = vector.load %arg14[%get3A, %get3A_0] : memref<32x1xf32, #tpu.memory_space<vmem>>, vector<32x1xf32>
    %get3A_2 = arith.constant 0 : index
    %get3A_3 = vector.load %arg1[%get3A_2] : memref<512xf32, #tpu.memory_space<vmem>>, vector<512xf32>
    %mul3A = arith.constant 6.28318548 : f32
    %mul3A_4 = vector.broadcast %mul3A : f32 to vector<32x1xf32>
    %mul3A_5 = arith.mulf %mul3A_4, %get3A_1 : vector<32x1xf32>
    %broadcast_in_dim3A = vector.shape_cast %get3A_3 : vector<512xf32> to vector<1x512xf32>
    %mul3A_6 = vector.broadcast %mul3A_5 : vector<32x1xf32> to vector<32x512xf32>
    %mul3A_7 = vector.broadcast %broadcast_in_dim3A : vector<1x512xf32> to vector<32x512xf32>
    %mul3A_8 = arith.mulf %mul3A_6, %mul3A_7 : vector<32x512xf32>
    %sin3A = math.sin %mul3A_8 : vector<32x512xf32>
    %swap3A = arith.constant 0 : index
    %swap3A_9 = arith.constant 0 : index
    %swap3A_10 = arith.constant 0 : index
    %swap3A_11 = vector.load %arg17[%swap3A, %swap3A_9, %swap3A_10] : memref<16x64x512xf32, #tpu.memory_space<vmem>>, vector<1x32x512xf32>
    %swap3A_12 = vector.shape_cast %swap3A_11 : vector<1x32x512xf32> to vector<32x512xf32>
    %swap3A_13 = vector.shape_cast %sin3A : vector<32x512xf32> to vector<1x32x512xf32>
    tpu.vector_store %arg17[%swap3A, %swap3A_9, %swap3A_10], %swap3A_13 {strides = array<i32>} : memref<16x64x512xf32, #tpu.memory_space<vmem>>, vector<1x32x512xf32>,
    %cos3A = math.cos %mul3A_8 : vector<32x512xf32>
    %swap3A_14 = arith.constant 0 : index
    %swap3A_15 = arith.constant 32 : index
    %swap3A_16 = arith.constant 0 : index
    %swap3A_17 = vector.load %arg17[%swap3A_14, %swap3A_15, %swap3A_16] : memref<16x64x512xf32, #tpu.memory_space<vmem>>, vector<1x32x512xf32>
    %swap3A_18 = vector.shape_cast %swap3A_17 : vector<1x32x512xf32> to vector<32x512xf32>
    %swap3A_19 = vector.shape_cast %cos3A : vector<32x512xf32> to vector<1x32x512xf32>
    tpu.vector_store %arg17[%swap3A_14, %swap3A_15, %swap3A_16], %swap3A_19 {strides = array<i32>} : memref<16x64x512xf32, #tpu.memory_space<vmem>>, vector<1x32x512xf32>,
    %get3A_20 = arith.constant 0 : index
    %get3A_21 = arith.constant 0 : index
    %get3A_22 = vector.load %arg2[%get3A_20, %get3A_21] : memref<64x512xf32, #tpu.memory_space<vmem>>, vector<64x512xf32>
    %swap3A_23 = arith.constant 1 : index
    %swap3A_24 = arith.constant 0 : index
    %swap3A_25 = arith.constant 0 : index
    %swap3A_26 = vector.load %arg17[%swap3A_23, %swap3A_24, %swap3A_25] : memref<16x64x512xf32, #tpu.memory_space<vmem>>, vector<1x64x512xf32>
    %swap3A_27 = vector.shape_cast %swap3A_26 : vector<1x64x512xf32> to vector<64x512xf32>
    %swap3A_28 = vector.shape_cast %get3A_22 : vector<64x512xf32> to vector<1x64x512xf32>
    tpu.vector_store %arg17[%swap3A_23, %swap3A_24, %swap3A_25], %swap3A_28 {strides = array<i32>} : memref<16x64x512xf32, #tpu.memory_space<vmem>>, vector<1x64x512xf32>,
    %get3A_29 = arith.constant 0 : index
    %get3A_30 = vector.load %arg4[%get3A_29] : memref<512xi32, #tpu.memory_space<vmem>>, vector<512xi32>
    %broadcast_in_dim3A_31 = vector.shape_cast %get3A_30 : vector<512xi32> to vector<1x512xi32>
    %iota3A = tpu.iota {dimensions = array<i32: 0>} : vector<4x512xi32>
    %eq3A = vector.broadcast %broadcast_in_dim3A_31 : vector<1x512xi32> to vector<4x512xi32>
    %eq3A_32 = arith.cmpi eq, %eq3A, %iota3A : vector<4x512xi32>
    %convert_element_type3A = arith.extui %eq3A_32 : vector<4x512xi1> to vector<4x512xi32>
    %convert_element_type3A_33 = arith.sitofp %convert_element_type3A : vector<4x512xi32> to vector<4x512xf32>
    %get3A_34 = arith.constant 0 : index
    %get3A_35 = arith.constant 0 : index
    %get3A_36 = vector.load %arg9[%get3A_34, %get3A_35] : memref<64x4xf32, #tpu.memory_space<vmem>>, vector<64x4xf32>
    %dot_general3A = arith.constant dense<0.000000e+00> : vector<64x512xf32>
    %dot_general3A_37 = tpu.matmul %get3A_36, %convert_element_type3A_33, %dot_general3A {dimension_numbers = #tpu.dot_dimension_numbers<[1], [0], [0], [1], [0, 0, 1, 1], [], []>, transpose_lhs_hint = false} : vector<64x4xf32>, vector<4x512xf32>, vector<64x512xf32> -> vector<64x512xf32>
    %swap3A_38 = arith.constant 2 : index
    %swap3A_39 = arith.constant 0 : index
    %swap3A_40 = arith.constant 0 : index
    %swap3A_41 = vector.load %arg17[%swap3A_38, %swap3A_39, %swap3A_40] : memref<16x64x512xf32, #tpu.memory_space<vmem>>, vector<1x64x512xf32>
    %swap3A_42 = vector.shape_cast %swap3A_41 : vector<1x64x512xf32> to vector<64x512xf32>
    %swap3A_43 = vector.shape_cast %dot_general3A_37 : vector<64x512xf32> to vector<1x64x512xf32>
    tpu.vector_store %arg17[%swap3A_38, %swap3A_39, %swap3A_40], %swap3A_43 {strides = array<i32>} : memref<16x64x512xf32, #tpu.memory_space<vmem>>, vector<1x64x512xf32>,
    %get3A_44 = arith.constant 0 : index
    %get3A_45 = vector.load %arg5[%get3A_44] : memref<512xi32, #tpu.memory_space<vmem>>, vector<512xi32>
    %broadcast_in_dim3A_46 = vector.shape_cast %get3A_45 : vector<512xi32> to vector<1x512xi32>
    %iota3A_47 = tpu.iota {dimensions = array<i32: 0>} : vector<16x512xi32>
    %eq3A_48 = vector.broadcast %broadcast_in_dim3A_46 : vector<1x512xi32> to vector<16x512xi32>
    %eq3A_49 = arith.cmpi eq, %eq3A_48, %iota3A_47 : vector<16x512xi32>
    %convert_element_type3A_50 = arith.extui %eq3A_49 : vector<16x512xi1> to vector<16x512xi32>
    %convert_element_type3A_51 = arith.sitofp %convert_element_type3A_50 : vector<16x512xi32> to vector<16x512xf32>
    %get3A_52 = arith.constant 0 : index
    %get3A_53 = arith.constant 0 : index
    %get3A_54 = vector.load %arg10[%get3A_52, %get3A_53] : memref<64x16xf32, #tpu.memory_space<vmem>>, vector<64x16xf32>
    %dot_general3A_55 = arith.constant dense<0.000000e+00> : vector<64x512xf32>
    %dot_general3A_56 = tpu.matmul %get3A_54, %convert_element_type3A_51, %dot_general3A_55 {dimension_numbers = #tpu.dot_dimension_numbers<[1], [0], [0], [1], [0, 0, 1, 1], [], []>, transpose_lhs_hint = false} : vector<64x16xf32>, vector<16x512xf32>, vector<64x512xf32> -> vector<64x512xf32>
    %swap3A_57 = arith.constant 3 : index
    %swap3A_58 = arith.constant 0 : index
    %swap3A_59 = arith.constant 0 : index
    %swap3A_60 = vector.load %arg17[%swap3A_57, %swap3A_58, %swap3A_59] : memref<16x64x512xf32, #tpu.memory_space<vmem>>, vector<1x64x512xf32>
    %swap3A_61 = vector.shape_cast %swap3A_60 : vector<1x64x512xf32> to vector<64x512xf32>
    %swap3A_62 = vector.shape_cast %dot_general3A_56 : vector<64x512xf32> to vector<1x64x512xf32>
    tpu.vector_store %arg17[%swap3A_57, %swap3A_58, %swap3A_59], %swap3A_62 {strides = array<i32>} : memref<16x64x512xf32, #tpu.memory_space<vmem>>, vector<1x64x512xf32>,
    %get3A_63 = arith.constant 0 : index
    %get3A_64 = vector.load %arg6[%get3A_63] : memref<512xi32, #tpu.memory_space<vmem>>, vector<512xi32>
    %broadcast_in_dim3A_65 = vector.shape_cast %get3A_64 : vector<512xi32> to vector<1x512xi32>
    %iota3A_66 = tpu.iota {dimensions = array<i32: 0>} : vector<256x512xi32>
    %eq3A_67 = vector.broadcast %broadcast_in_dim3A_65 : vector<1x512xi32> to vector<256x512xi32>
    %eq3A_68 = arith.cmpi eq, %eq3A_67, %iota3A_66 : vector<256x512xi32>
    %convert_element_type3A_69 = arith.extui %eq3A_68 : vector<256x512xi1> to vector<256x512xi32>
    %convert_element_type3A_70 = arith.sitofp %convert_element_type3A_69 : vector<256x512xi32> to vector<256x512xf32>
    %get3A_71 = arith.constant 0 : index
    %get3A_72 = arith.constant 0 : index
    %get3A_73 = vector.load %arg11[%get3A_71, %get3A_72] : memref<64x256xf32, #tpu.memory_space<vmem>>, vector<64x256xf32>
    %dot_general3A_74 = arith.constant dense<0.000000e+00> : vector<64x512xf32>
    %dot_general3A_75 = tpu.matmul %get3A_73, %convert_element_type3A_70, %dot_general3A_74 {dimension_numbers = #tpu.dot_dimension_numbers<[1], [0], [0], [1], [0, 0, 1, 1], [], []>, transpose_lhs_hint = false} : vector<64x256xf32>, vector<256x512xf32>, vector<64x512xf32> -> vector<64x512xf32>
    %swap3A_76 = arith.constant 4 : index
    %swap3A_77 = arith.constant 0 : index
    %swap3A_78 = arith.constant 0 : index
    %swap3A_79 = vector.load %arg17[%swap3A_76, %swap3A_77, %swap3A_78] : memref<16x64x512xf32, #tpu.memory_space<vmem>>, vector<1x64x512xf32>
    %swap3A_80 = vector.shape_cast %swap3A_79 : vector<1x64x512xf32> to vector<64x512xf32>
    %swap3A_81 = vector.shape_cast %dot_general3A_75 : vector<64x512xf32> to vector<1x64x512xf32>
    tpu.vector_store %arg17[%swap3A_76, %swap3A_77, %swap3A_78], %swap3A_81 {strides = array<i32>} : memref<16x64x512xf32, #tpu.memory_space<vmem>>, vector<1x64x512xf32>,
    %get3A_82 = arith.constant 0 : index
    %get3A_83 = vector.load %arg7[%get3A_82] : memref<512xi32, #tpu.memory_space<vmem>>, vector<512xi32>
    %broadcast_in_dim3A_84 = vector.shape_cast %get3A_83 : vector<512xi32> to vector<1x512xi32>
    %iota3A_85 = tpu.iota {dimensions = array<i32: 0>} : vector<1024x512xi32>
    %eq3A_86 = vector.broadcast %broadcast_in_dim3A_84 : vector<1x512xi32> to vector<1024x512xi32>
    %eq3A_87 = arith.cmpi eq, %eq3A_86, %iota3A_85 : vector<1024x512xi32>
    %convert_element_type3A_88 = arith.extui %eq3A_87 : vector<1024x512xi1> to vector<1024x512xi32>
    %convert_element_type3A_89 = arith.sitofp %convert_element_type3A_88 : vector<1024x512xi32> to vector<1024x512xf32>
    %get3A_90 = arith.constant 0 : index
    %get3A_91 = arith.constant 0 : index
    %get3A_92 = vector.load %arg12[%get3A_90, %get3A_91] : memref<64x1024xf32, #tpu.memory_space<vmem>>, vector<64x1024xf32>
    %dot_general3A_93 = arith.constant dense<0.000000e+00> : vector<64x512xf32>
    %dot_general3A_94 = tpu.matmul %get3A_92, %convert_element_type3A_89, %dot_general3A_93 {dimension_numbers = #tpu.dot_dimension_numbers<[1], [0], [0], [1], [0, 0, 1, 1], [], []>, transpose_lhs_hint = false} : vector<64x1024xf32>, vector<1024x512xf32>, vector<64x512xf32> -> vector<64x512xf32>
    %swap3A_95 = arith.constant 5 : index
    %swap3A_96 = arith.constant 0 : index
    %swap3A_97 = arith.constant 0 : index
    %swap3A_98 = vector.load %arg17[%swap3A_95, %swap3A_96, %swap3A_97] : memref<16x64x512xf32, #tpu.memory_space<vmem>>, vector<1x64x512xf32>
    %swap3A_99 = vector.shape_cast %swap3A_98 : vector<1x64x512xf32> to vector<64x512xf32>
    %swap3A_100 = vector.shape_cast %dot_general3A_94 : vector<64x512xf32> to vector<1x64x512xf32>
    tpu.vector_store %arg17[%swap3A_95, %swap3A_96, %swap3A_97], %swap3A_100 {strides = array<i32>} : memref<16x64x512xf32, #tpu.memory_space<vmem>>, vector<1x64x512xf32>,
    %get3A_101 = arith.constant 0 : index
    %get3A_102 = vector.load %arg8[%get3A_101] : memref<512xi32, #tpu.memory_space<vmem>>, vector<512xi32>
    %broadcast_in_dim3A_103 = vector.shape_cast %get3A_102 : vector<512xi32> to vector<1x512xi32>
    %iota3A_104 = tpu.iota {dimensions = array<i32: 0>} : vector<384x512xi32>
    %eq3A_105 = vector.broadcast %broadcast_in_dim3A_103 : vector<1x512xi32> to vector<384x512xi32>
    %eq3A_106 = arith.cmpi eq, %eq3A_105, %iota3A_104 : vector<384x512xi32>
    %convert_element_type3A_107 = arith.extui %eq3A_106 : vector<384x512xi1> to vector<384x512xi32>
    %convert_element_type3A_108 = arith.sitofp %convert_element_type3A_107 : vector<384x512xi32> to vector<384x512xf32>
    %get3A_109 = arith.constant 0 : index
    %get3A_110 = arith.constant 0 : index
    %get3A_111 = vector.load %arg13[%get3A_109, %get3A_110] : memref<64x384xf32, #tpu.memory_space<vmem>>, vector<64x384xf32>
    %dot_general3A_112 = arith.constant dense<0.000000e+00> : vector<64x512xf32>
    %dot_general3A_113 = tpu.matmul %get3A_111, %convert_element_type3A_108, %dot_general3A_112 {dimension_numbers = #tpu.dot_dimension_numbers<[1], [0], [0], [1], [0, 0, 1, 1], [], []>, transpose_lhs_hint = false} : vector<64x384xf32>, vector<384x512xf32>, vector<64x512xf32> -> vector<64x512xf32>
    %swap3A_114 = arith.constant 6 : index
    %swap3A_115 = arith.constant 0 : index
    %swap3A_116 = arith.constant 0 : index
    %swap3A_117 = vector.load %arg17[%swap3A_114, %swap3A_115, %swap3A_116] : memref<16x64x512xf32, #tpu.memory_space<vmem>>, vector<1x64x512xf32>
    %swap3A_118 = vector.shape_cast %swap3A_117 : vector<1x64x512xf32> to vector<64x512xf32>
    %swap3A_119 = vector.shape_cast %dot_general3A_113 : vector<64x512xf32> to vector<1x64x512xf32>
    tpu.vector_store %arg17[%swap3A_114, %swap3A_115, %swap3A_116], %swap3A_119 {strides = array<i32>} : memref<16x64x512xf32, #tpu.memory_space<vmem>>, vector<1x64x512xf32>,
    %get3A_120 = arith.constant 0 : index
    %get3A_121 = arith.constant 0 : index
    %get3A_122 = arith.constant 0 : index
    %get3A_123 = vector.load %arg16[%get3A_120, %get3A_121, %get3A_122] : memref<6x512x128xf32, #tpu.memory_space<vmem>>, vector<1x512x64xf32>
    %get3A_124 = vector.shape_cast %get3A_123 : vector<1x512x64xf32> to vector<512x64xf32>
    %transpose3A = tpu.transpose %get3A_124, [1, 0] : vector<512x64xf32> -> vector<64x512xf32>
    %swap3A_125 = arith.constant 7 : index
    %swap3A_126 = arith.constant 0 : index
    %swap3A_127 = arith.constant 0 : index
    %swap3A_128 = vector.load %arg17[%swap3A_125, %swap3A_126, %swap3A_127] : memref<16x64x512xf32, #tpu.memory_space<vmem>>, vector<1x64x512xf32>
    %swap3A_129 = vector.shape_cast %swap3A_128 : vector<1x64x512xf32> to vector<64x512xf32>
    %swap3A_130 = vector.shape_cast %transpose3A : vector<64x512xf32> to vector<1x64x512xf32>
    tpu.vector_store %arg17[%swap3A_125, %swap3A_126, %swap3A_127], %swap3A_130 {strides = array<i32>} : memref<16x64x512xf32, #tpu.memory_space<vmem>>, vector<1x64x512xf32>,
    %get3A_131 = arith.constant 1 : index
    %get3A_132 = arith.constant 0 : index
    %get3A_133 = arith.constant 0 : index
    %get3A_134 = vector.load %arg16[%get3A_131, %get3A_132, %get3A_133] : memref<6x512x128xf32, #tpu.memory_space<vmem>>, vector<1x512x64xf32>
    %get3A_135 = vector.shape_cast %get3A_134 : vector<1x512x64xf32> to vector<512x64xf32>
    %transpose3A_136 = tpu.transpose %get3A_135, [1, 0] : vector<512x64xf32> -> vector<64x512xf32>
    %swap3A_137 = arith.constant 8 : index
    %swap3A_138 = arith.constant 0 : index
    %swap3A_139 = arith.constant 0 : index
    %swap3A_140 = vector.load %arg17[%swap3A_137, %swap3A_138, %swap3A_139] : memref<16x64x512xf32, #tpu.memory_space<vmem>>, vector<1x64x512xf32>
    %swap3A_141 = vector.shape_cast %swap3A_140 : vector<1x64x512xf32> to vector<64x512xf32>
    %swap3A_142 = vector.shape_cast %transpose3A_136 : vector<64x512xf32> to vector<1x64x512xf32>
    tpu.vector_store %arg17[%swap3A_137, %swap3A_138, %swap3A_139], %swap3A_142 {strides = array<i32>} : memref<16x64x512xf32, #tpu.memory_space<vmem>>, vector<1x64x512xf32>,
    %get3A_143 = arith.constant 2 : index
    %get3A_144 = arith.constant 0 : index
    %get3A_145 = arith.constant 0 : index
    %get3A_146 = vector.load %arg16[%get3A_143, %get3A_144, %get3A_145] : memref<6x512x128xf32, #tpu.memory_space<vmem>>, vector<1x512x64xf32>
    %get3A_147 = vector.shape_cast %get3A_146 : vector<1x512x64xf32> to vector<512x64xf32>
    %transpose3A_148 = tpu.transpose %get3A_147, [1, 0] : vector<512x64xf32> -> vector<64x512xf32>
    %swap3A_149 = arith.constant 9 : index
    %swap3A_150 = arith.constant 0 : index
    %swap3A_151 = arith.constant 0 : index
    %swap3A_152 = vector.load %arg17[%swap3A_149, %swap3A_150, %swap3A_151] : memref<16x64x512xf32, #tpu.memory_space<vmem>>, vector<1x64x512xf32>
    %swap3A_153 = vector.shape_cast %swap3A_152 : vector<1x64x512xf32> to vector<64x512xf32>
    %swap3A_154 = vector.shape_cast %transpose3A_148 : vector<64x512xf32> to vector<1x64x512xf32>
    tpu.vector_store %arg17[%swap3A_149, %swap3A_150, %swap3A_151], %swap3A_154 {strides = array<i32>} : memref<16x64x512xf32, #tpu.memory_space<vmem>>, vector<1x64x512xf32>,
    %get3A_155 = arith.constant 3 : index
    %get3A_156 = arith.constant 0 : index
    %get3A_157 = arith.constant 0 : index
    %get3A_158 = vector.load %arg16[%get3A_155, %get3A_156, %get3A_157] : memref<6x512x128xf32, #tpu.memory_space<vmem>>, vector<1x512x64xf32>
    %get3A_159 = vector.shape_cast %get3A_158 : vector<1x512x64xf32> to vector<512x64xf32>
    %transpose3A_160 = tpu.transpose %get3A_159, [1, 0] : vector<512x64xf32> -> vector<64x512xf32>
    %swap3A_161 = arith.constant 10 : index
    %swap3A_162 = arith.constant 0 : index
    %swap3A_163 = arith.constant 0 : index
    %swap3A_164 = vector.load %arg17[%swap3A_161, %swap3A_162, %swap3A_163] : memref<16x64x512xf32, #tpu.memory_space<vmem>>, vector<1x64x512xf32>
    %swap3A_165 = vector.shape_cast %swap3A_164 : vector<1x64x512xf32> to vector<64x512xf32>
    %swap3A_166 = vector.shape_cast %transpose3A_160 : vector<64x512xf32> to vector<1x64x512xf32>
    tpu.vector_store %arg17[%swap3A_161, %swap3A_162, %swap3A_163], %swap3A_166 {strides = array<i32>} : memref<16x64x512xf32, #tpu.memory_space<vmem>>, vector<1x64x512xf32>,
    %get3A_167 = arith.constant 4 : index
    %get3A_168 = arith.constant 0 : index
    %get3A_169 = arith.constant 0 : index
    %get3A_170 = vector.load %arg16[%get3A_167, %get3A_168, %get3A_169] : memref<6x512x128xf32, #tpu.memory_space<vmem>>, vector<1x512x64xf32>
    %get3A_171 = vector.shape_cast %get3A_170 : vector<1x512x64xf32> to vector<512x64xf32>
    %transpose3A_172 = tpu.transpose %get3A_171, [1, 0] : vector<512x64xf32> -> vector<64x512xf32>
    %swap3A_173 = arith.constant 11 : index
    %swap3A_174 = arith.constant 0 : index
    %swap3A_175 = arith.constant 0 : index
    %swap3A_176 = vector.load %arg17[%swap3A_173, %swap3A_174, %swap3A_175] : memref<16x64x512xf32, #tpu.memory_space<vmem>>, vector<1x64x512xf32>
    %swap3A_177 = vector.shape_cast %swap3A_176 : vector<1x64x512xf32> to vector<64x512xf32>
    %swap3A_178 = vector.shape_cast %transpose3A_172 : vector<64x512xf32> to vector<1x64x512xf32>
    tpu.vector_store %arg17[%swap3A_173, %swap3A_174, %swap3A_175], %swap3A_178 {strides = array<i32>} : memref<16x64x512xf32, #tpu.memory_space<vmem>>, vector<1x64x512xf32>,
    %get3A_179 = arith.constant 5 : index
    %get3A_180 = arith.constant 0 : index
    %get3A_181 = arith.constant 0 : index
    %get3A_182 = vector.load %arg16[%get3A_179, %get3A_180, %get3A_181] : memref<6x512x128xf32, #tpu.memory_space<vmem>>, vector<1x512x64xf32>
    %get3A_183 = vector.shape_cast %get3A_182 : vector<1x512x64xf32> to vector<512x64xf32>
    %transpose3A_184 = tpu.transpose %get3A_183, [1, 0] : vector<512x64xf32> -> vector<64x512xf32>
    %swap3A_185 = arith.constant 12 : index
    %swap3A_186 = arith.constant 0 : index
    %swap3A_187 = arith.constant 0 : index
    %swap3A_188 = vector.load %arg17[%swap3A_185, %swap3A_186, %swap3A_187] : memref<16x64x512xf32, #tpu.memory_space<vmem>>, vector<1x64x512xf32>
    %swap3A_189 = vector.shape_cast %swap3A_188 : vector<1x64x512xf32> to vector<64x512xf32>
    %swap3A_190 = vector.shape_cast %transpose3A_184 : vector<64x512xf32> to vector<1x64x512xf32>
    tpu.vector_store %arg17[%swap3A_185, %swap3A_186, %swap3A_187], %swap3A_190 {strides = array<i32>} : memref<16x64x512xf32, #tpu.memory_space<vmem>>, vector<1x64x512xf32>,
    %get3A_191 = arith.constant 0 : index
    %get3A_192 = arith.constant 0 : index
    %get3A_193 = vector.load %arg15[%get3A_191, %get3A_192] : memref<32x1xf32, #tpu.memory_space<vmem>>, vector<32x1xf32>
    %get3A_194 = arith.constant 0 : index
    %get3A_195 = arith.constant 0 : index
    %get3A_196 = vector.load %arg3[%get3A_194, %get3A_195] : memref<3x512xf32, #tpu.memory_space<vmem>>, vector<3x512xf32>
    %mul3A_197 = arith.constant 6.28318548 : f32
    %mul3A_198 = vector.broadcast %mul3A_197 : f32 to vector<32x1xf32>
    %mul3A_199 = arith.mulf %mul3A_198, %get3A_193 : vector<32x1xf32>
    %slice3A = vector.extract_strided_slice %get3A_196 {offsets = [0, 0], sizes = [1, 512], strides = [1, 1]} : vector<3x512xf32> to vector<1x512xf32>
    %squeeze3A = vector.shape_cast %slice3A : vector<1x512xf32> to vector<512xf32>
    %broadcast_in_dim3A_200 = vector.shape_cast %squeeze3A : vector<512xf32> to vector<1x512xf32>
    %mul3A_201 = vector.broadcast %mul3A_199 : vector<32x1xf32> to vector<32x512xf32>
    %mul3A_202 = vector.broadcast %broadcast_in_dim3A_200 : vector<1x512xf32> to vector<32x512xf32>
    %mul3A_203 = arith.mulf %mul3A_201, %mul3A_202 : vector<32x512xf32>
    %sin3A_204 = math.sin %mul3A_203 : vector<32x512xf32>
    %swap3A_205 = arith.constant 13 : index
    %swap3A_206 = arith.constant 0 : index
    %swap3A_207 = arith.constant 0 : index
    %swap3A_208 = vector.load %arg17[%swap3A_205, %swap3A_206, %swap3A_207] : memref<16x64x512xf32, #tpu.memory_space<vmem>>, vector<1x32x512xf32>
    %swap3A_209 = vector.shape_cast %swap3A_208 : vector<1x32x512xf32> to vector<32x512xf32>
    %swap3A_210 = vector.shape_cast %sin3A_204 : vector<32x512xf32> to vector<1x32x512xf32>
    tpu.vector_store %arg17[%swap3A_205, %swap3A_206, %swap3A_207], %swap3A_210 {strides = array<i32>} : memref<16x64x512xf32, #tpu.memory_space<vmem>>, vector<1x32x512xf32>,
    %cos3A_211 = math.cos %mul3A_203 : vector<32x512xf32>
    %swap3A_212 = arith.constant 13 : index
    %swap3A_213 = arith.constant 32 : index
    %swap3A_214 = arith.constant 0 : index
    %swap3A_215 = vector.load %arg17[%swap3A_212, %swap3A_213, %swap3A_214] : memref<16x64x512xf32, #tpu.memory_space<vmem>>, vector<1x32x512xf32>
    %swap3A_216 = vector.shape_cast %swap3A_215 : vector<1x32x512xf32> to vector<32x512xf32>
    %swap3A_217 = vector.shape_cast %cos3A_211 : vector<32x512xf32> to vector<1x32x512xf32>
    tpu.vector_store %arg17[%swap3A_212, %swap3A_213, %swap3A_214], %swap3A_217 {strides = array<i32>} : memref<16x64x512xf32, #tpu.memory_space<vmem>>, vector<1x32x512xf32>,
    %mul3A_218 = arith.constant 6.28318548 : f32
    %mul3A_219 = vector.broadcast %mul3A_218 : f32 to vector<32x1xf32>
    %mul3A_220 = arith.mulf %mul3A_219, %get3A_193 : vector<32x1xf32>
    %slice3A_221 = vector.extract_strided_slice %get3A_196 {offsets = [1, 0], sizes = [1, 512], strides = [1, 1]} : vector<3x512xf32> to vector<1x512xf32>
    %squeeze3A_222 = vector.shape_cast %slice3A_221 : vector<1x512xf32> to vector<512xf32>
    %broadcast_in_dim3A_223 = vector.shape_cast %squeeze3A_222 : vector<512xf32> to vector<1x512xf32>
    %mul3A_224 = vector.broadcast %mul3A_220 : vector<32x1xf32> to vector<32x512xf32>
    %mul3A_225 = vector.broadcast %broadcast_in_dim3A_223 : vector<1x512xf32> to vector<32x512xf32>
    %mul3A_226 = arith.mulf %mul3A_224, %mul3A_225 : vector<32x512xf32>
    %sin3A_227 = math.sin %mul3A_226 : vector<32x512xf32>
    %swap3A_228 = arith.constant 14 : index
    %swap3A_229 = arith.constant 0 : index
    %swap3A_230 = arith.constant 0 : index
    %swap3A_231 = vector.load %arg17[%swap3A_228, %swap3A_229, %swap3A_230] : memref<16x64x512xf32, #tpu.memory_space<vmem>>, vector<1x32x512xf32>
    %swap3A_232 = vector.shape_cast %swap3A_231 : vector<1x32x512xf32> to vector<32x512xf32>
    %swap3A_233 = vector.shape_cast %sin3A_227 : vector<32x512xf32> to vector<1x32x512xf32>
    tpu.vector_store %arg17[%swap3A_228, %swap3A_229, %swap3A_230], %swap3A_233 {strides = array<i32>} : memref<16x64x512xf32, #tpu.memory_space<vmem>>, vector<1x32x512xf32>,
    %cos3A_234 = math.cos %mul3A_226 : vector<32x512xf32>
    %swap3A_235 = arith.constant 14 : index
    %swap3A_236 = arith.constant 32 : index
    %swap3A_237 = arith.constant 0 : index
    %swap3A_238 = vector.load %arg17[%swap3A_235, %swap3A_236, %swap3A_237] : memref<16x64x512xf32, #tpu.memory_space<vmem>>, vector<1x32x512xf32>
    %swap3A_239 = vector.shape_cast %swap3A_238 : vector<1x32x512xf32> to vector<32x512xf32>
    %swap3A_240 = vector.shape_cast %cos3A_234 : vector<32x512xf32> to vector<1x32x512xf32>
    tpu.vector_store %arg17[%swap3A_235, %swap3A_236, %swap3A_237], %swap3A_240 {strides = array<i32>} : memref<16x64x512xf32, #tpu.memory_space<vmem>>, vector<1x32x512xf32>,
    %mul3A_241 = arith.constant 6.28318548 : f32
    %mul3A_242 = vector.broadcast %mul3A_241 : f32 to vector<32x1xf32>
    %mul3A_243 = arith.mulf %mul3A_242, %get3A_193 : vector<32x1xf32>
    %slice3A_244 = vector.extract_strided_slice %get3A_196 {offsets = [2, 0], sizes = [1, 512], strides = [1, 1]} : vector<3x512xf32> to vector<1x512xf32>
    %squeeze3A_245 = vector.shape_cast %slice3A_244 : vector<1x512xf32> to vector<512xf32>
    %broadcast_in_dim3A_246 = vector.shape_cast %squeeze3A_245 : vector<512xf32> to vector<1x512xf32>
    %mul3A_247 = vector.broadcast %mul3A_243 : vector<32x1xf32> to vector<32x512xf32>
    %mul3A_248 = vector.broadcast %broadcast_in_dim3A_246 : vector<1x512xf32> to vector<32x512xf32>
    %mul3A_249 = arith.mulf %mul3A_247, %mul3A_248 : vector<32x512xf32>
    %sin3A_250 = math.sin %mul3A_249 : vector<32x512xf32>
    %swap3A_251 = arith.constant 15 : index
    %swap3A_252 = arith.constant 0 : index
    %swap3A_253 = arith.constant 0 : index
    %swap3A_254 = vector.load %arg17[%swap3A_251, %swap3A_252, %swap3A_253] : memref<16x64x512xf32, #tpu.memory_space<vmem>>, vector<1x32x512xf32>
    %swap3A_255 = vector.shape_cast %swap3A_254 : vector<1x32x512xf32> to vector<32x512xf32>
    %swap3A_256 = vector.shape_cast %sin3A_250 : vector<32x512xf32> to vector<1x32x512xf32>
    tpu.vector_store %arg17[%swap3A_251, %swap3A_252, %swap3A_253], %swap3A_256 {strides = array<i32>} : memref<16x64x512xf32, #tpu.memory_space<vmem>>, vector<1x32x512xf32>,
    %cos3A_257 = math.cos %mul3A_249 : vector<32x512xf32>
    %swap3A_258 = arith.constant 15 : index
    %swap3A_259 = arith.constant 32 : index
    %swap3A_260 = arith.constant 0 : index
    %swap3A_261 = vector.load %arg17[%swap3A_258, %swap3A_259, %swap3A_260] : memref<16x64x512xf32, #tpu.memory_space<vmem>>, vector<1x32x512xf32>
    %swap3A_262 = vector.shape_cast %swap3A_261 : vector<1x32x512xf32> to vector<32x512xf32>
    %swap3A_263 = vector.shape_cast %cos3A_257 : vector<32x512xf32> to vector<1x32x512xf32>
    tpu.vector_store %arg17[%swap3A_258, %swap3A_259, %swap3A_260], %swap3A_263 {strides = array<i32>} : memref<16x64x512xf32, #tpu.memory_space<vmem>>, vector<1x32x512xf32>,
    return
  }
  func.func @transform_0(%arg0: i32) -> i32 {
    %c0_i32 = arith.constant 0 : i32
    return %arg0 : i32
  }
  func.func @transform_1(%arg0: i32) -> (i32, i32) {
    %c0_i32 = arith.constant 0 : i32
    %c0_i32_0 = arith.constant 0 : i32
    return %c0_i32, %arg0 : i32, i32
  }
  func.func @transform_2(%arg0: i32) -> (i32, i32) {
    %c0_i32 = arith.constant 0 : i32
    %c0_i32_0 = arith.constant 0 : i32
    return %c0_i32, %arg0 : i32, i32
  }
  func.func @transform_3(%arg0: i32) -> i32 {
    %c0_i32 = arith.constant 0 : i32
    return %arg0 : i32
  }
  func.func @transform_4(%arg0: i32) -> i32 {
    %c0_i32 = arith.constant 0 : i32
    return %arg0 : i32
  }
  func.func @transform_5(%arg0: i32) -> i32 {
    %c0_i32 = arith.constant 0 : i32
    return %arg0 : i32
  }
  func.func @transform_6(%arg0: i32) -> i32 {
    %c0_i32 = arith.constant 0 : i32
    return %arg0 : i32
  }
  func.func @transform_7(%arg0: i32) -> i32 {
    %c0_i32 = arith.constant 0 : i32
    return %arg0 : i32
  }
  func.func @transform_8(%arg0: i32) -> (i32, i32) {
    %c0_i32 = arith.constant 0 : i32
    %c0_i32_0 = arith.constant 0 : i32
    %c0_i32_1 = arith.constant 0 : i32
    return %c0_i32, %c0_i32_0 : i32, i32
  }
  func.func @transform_9(%arg0: i32) -> (i32, i32) {
    %c0_i32 = arith.constant 0 : i32
    %c0_i32_0 = arith.constant 0 : i32
    %c0_i32_1 = arith.constant 0 : i32
    return %c0_i32, %c0_i32_0 : i32, i32
  }
  func.func @transform_10(%arg0: i32) -> (i32, i32) {
    %c0_i32 = arith.constant 0 : i32
    %c0_i32_0 = arith.constant 0 : i32
    %c0_i32_1 = arith.constant 0 : i32
    return %c0_i32, %c0_i32_0 : i32, i32
  }
  func.func @transform_11(%arg0: i32) -> (i32, i32) {
    %c0_i32 = arith.constant 0 : i32
    %c0_i32_0 = arith.constant 0 : i32
    %c0_i32_1 = arith.constant 0 : i32
    return %c0_i32, %c0_i32_0 : i32, i32
  }
  func.func @transform_12(%arg0: i32) -> (i32, i32) {
    %c0_i32 = arith.constant 0 : i32
    %c0_i32_0 = arith.constant 0 : i32
    %c0_i32_1 = arith.constant 0 : i32
    return %c0_i32, %c0_i32_0 : i32, i32
  }
  func.func @transform_13(%arg0: i32) -> (i32, i32) {
    %c0_i32 = arith.constant 0 : i32
    %c0_i32_0 = arith.constant 0 : i32
    %c0_i32_1 = arith.constant 0 : i32
    return %c0_i32, %c0_i32_0 : i32, i32
  }
  func.func @transform_14(%arg0: i32) -> (i32, i32) {
    %c0_i32 = arith.constant 0 : i32
    %c0_i32_0 = arith.constant 0 : i32
    %c0_i32_1 = arith.constant 0 : i32
    return %c0_i32, %c0_i32_0 : i32, i32
  }
  func.func @transform_15(%arg0: i32) -> (i32, i32, i32) {
    %c0_i32 = arith.constant 0 : i32
    %c0_i32_0 = arith.constant 0 : i32
    %c0_i32_1 = arith.constant 0 : i32
    return %c0_i32, %arg0, %c0_i32_0 : i32, i32, i32
  }
  func.func @transform_16(%arg0: i32) -> (i32, i32, i32) {
    %c0_i32 = arith.constant 0 : i32
    %c0_i32_0 = arith.constant 0 : i32
    %c0_i32_1 = arith.constant 0 : i32
    return %c0_i32, %c0_i32_0, %arg0 : i32, i32, i32
  }
}

</mosaic_0001>

<sc_bundles>
// kernel: kernel.6.cloned.1.call-start
scs
__scs_entry_jumppad:
0x0: {  	(pc) =	sbr.rel $0x88, $3  }
0x1: {  	(tag) =	ssettag $0x0;
	lr =	simm.s32 $0x1  }
0x2: {  	[smem:$0x3F8E] =	sst lr;
	_ =	strace $0xD0000000  }
0x3: {  	_ = 	snop  }
0x4: {  	_ = 	snop  }
0x5: {  	_ = 	snop  }
0x6: {  	_ = 	snop  }
0x7: {  	_ = 	snop  }
__scs_overlays_trampoline_lowered:
0x8: {  	[smem:$0x3F9D] =	sst s0  }
0x9: {  	[smem:$0x3F9E] =	sst s1  }
0xa: {  	[smem:$0x3F9F] =	sst s2  }
0xb: {  	[smem:$0x3FA0] =	sst s3  }
0xc: {  	[smem:$0x3FA1] =	sst s4  }
0xd: {  	[smem:$0x3FA2] =	sst s5  }
0xe: {  	[smem:$0x3FA3] =	sst s6  }
0xf: {  	[smem:$0x3FA4] =	sst s7  }
0x10: {  	[smem:$0x3FA5] =	sst s8  }
0x11: {  	[smem:$0x3FA6] =	sst s9;
	s0 =	simm.s32 @!p0 $0x0  }
0x12: {  	s1 =	sld [smem:$0x3F8C];
	s0 =	simm.s32 @p0 $0x1  }
0x13: {  	[smem:$0x3FA7] =	sst s0;
	s0 =	simm.s32 @!p1 $0x0  }
0x14: {  	s2 =	sld [smem:$0x3F8B];
	s0 =	simm.s32 @p1 $0x1  }
0x15: {  	[smem:$0x3FA8] =	sst s0;
	s0 =	simm.s32 @!p2 $0x0  }
0x16: {  	s3 =	sld [smem:$0x3FDB];
	s0 =	simm.s32 @p2 $0x1  }
0x17: {  	s4 =	simm.s32 $0x1BF5;
	[smem:$0x3FAA] =	sst s0  }
0x18: {  	s0 =	sld [smem:$0x3F8D];
	_ =	swait.ge [sflag:s4], $0x0  }
0x19: {  	s7 =	sld [smem:$0x3F8E]  }
0x1a: {  	s8 =	sadd.s32 $0xFFFFE003, lr  }
0x1b: {  	s9 =	sadd.s32 $0xFFFFFEF7, lr;
	s5 =	simm.s32 $0xFFFFFFFF;
	p2 =	slt.u32 s8, $0xFFFFF086  }
0x1c: {  	p1 =	slt.u32 s9, $0xF7A;
	s5 =	simm.s32 @!p2 $0x0  }
0x1d: {  	s5 =	simm.s32 @p1 $0x1;
	p0 =	seq.s32 s7, s2  }
0x1e: {  	s7 =	smul.u32 @!p0 $0xF7A, s2;
	p2 =	seq.s32 @!p0 s5, $0x0  }
0x1f: {  	s9 =	smul.u32 $0xF7A, s1;
	s8 =	simm.s32 @!p0 $0x1BF5;
	p2 =	por !p2, p0  }
0x20: {  	[sflag:s8] =	ssyncset.s32 @!p0 $0xFFFFF086;
	s6 =	sadd.s32 @!p0 s3, s7;
	s7 =	simm.s32 @!p0 $0x108  }
0x21: {  	s3 =	sadd.s32 s3, s9;
	s6 =	sadd.s32 @!p0 $0x88, s6;
	s7 =	simm.s32 @p2 $0x1082  }
0x22: {  	[simem:s7], [sflag:s8] =	dma.local @!p0 [hbm:s6], $0xF7A  }
0x23: {  	s9 =	sor.u32 $0xD0000000, s2;
	s6 =	simm.s32 $0x108;
	_ =	swait.ge @!p0 [sflag:s8], $0x0  }
0x24: {  	s3 =	sadd.s32 $0x88, s3;
	s6 =	simm.s32 @!p1 $0x1082;
	[sflag:s4] =	ssyncset.s32 $0xFFFFF086  }
0x25: {  	[simem:s6], [sflag:s4] =	dma.local [hbm:s3], $0xF7A  }
0x26: {  	[smem:$0x3F8E] =	sst s1;
	(tag) =	ssettag s2;
	_ =	strace s9  }
0x27: {  	s1 =	sld [smem:$0x3F9E]  }
0x28: {  	s2 =	sld [smem:$0x3F9F]  }
0x29: {  	s4 =	sld [smem:$0x3FA1]  }
0x2a: {  	p0 =	seq.s32 s5, $0x0;
	s5 =	sld [smem:$0x3FA2]  }
0x2b: {  	s6 =	sld [smem:$0x3FA3]  }
0x2c: {  	s7 =	sld [smem:$0x3FA4]  }
0x2d: {  	s3 =	simm.s32 $0x108;
	s8 =	sld [smem:$0x3FA5]  }
0x2e: {  	s3 =	simm.s32 @!p0 $0x1082;
	s9 =	sld [smem:$0x3FA6]  }
0x2f: {  	lr =	sadd.s32 s0, s3;
	s0 =	sld [smem:$0x3F9D]  }
0x30: {  	s3 =	sld [smem:$0x3FA0]  }
0x31: {  	[smem:$0x3FA9] =	sst s10  }
0x32: {  	s10 =	sld [smem:$0x3FA7];
	_ =	sdelay $0x3  }
0x33: {  	p0 =	seq.s32 s10, $0x1;
	s10 =	sld [smem:$0x3FA9];
	_ =	sdelay $0x3  }
0x34: {  	[smem:$0x3FA9] =	sst s10  }
0x35: {  	s10 =	sld [smem:$0x3FA8];
	_ =	sdelay $0x3  }
0x36: {  	p1 =	seq.s32 s10, $0x1;
	s10 =	sld [smem:$0x3FA9];
	_ =	sdelay $0x3  }
0x37: {  	[smem:$0x3FA9] =	sst s10  }
0x38: {  	s10 =	sld [smem:$0x3FAA]  }
0x39: {  	_ = 	snop;
	(pc) =	sbr.ind lr, $3  }
0x3a: {  	_ = 	snop  }
0x3b: {  	_ = 	snop  }
0x3c: {  	p2 =	seq.s32 s10, $0x1;
	s10 =	sld [smem:$0x3FA9]  }
0x3d: {  	_ =	shalt  }
0x3e: {  	_ =	shalt  }
0x3f: {  	_ =	shalt  }
0x40: {  	_ =	shalt  }
0x41: {  	_ =	shalt  }
0x42: {  	_ =	shalt  }
0x43: {  	_ =	shalt  }
0x44: {  	_ =	shalt  }
0x45: {  	_ =	shalt  }
0x46: {  	_ =	shalt  }
0x47: {  	_ =	shalt  }
0x48: {  	_ =	shalt  }
0x49: {  	_ =	shalt  }
0x4a: {  	_ =	shalt  }
0x4b: {  	_ =	shalt  }
0x4c: {  	_ =	shalt  }
0x4d: {  	_ =	shalt  }
0x4e: {  	_ =	shalt  }
0x4f: {  	_ =	shalt  }
0x50: {  	_ =	shalt  }
0x51: {  	_ =	shalt  }
0x52: {  	_ =	shalt  }
0x53: {  	_ =	shalt  }
0x54: {  	_ =	shalt  }
0x55: {  	_ =	shalt  }
0x56: {  	_ =	shalt  }
0x57: {  	_ =	shalt  }
0x58: {  	_ =	shalt  }
0x59: {  	_ =	shalt  }
0x5a: {  	_ =	shalt  }
0x5b: {  	_ =	shalt  }
0x5c: {  	_ =	shalt  }
0x5d: {  	_ =	shalt  }
0x5e: {  	_ =	shalt  }
0x5f: {  	_ =	shalt  }
0x60: {  	_ =	shalt  }
0x61: {  	_ =	shalt  }
0x62: {  	_ =	shalt  }
0x63: {  	_ =	shalt  }
0x64: {  	_ =	shalt  }
0x65: {  	_ =	shalt  }
0x66: {  	_ =	shalt  }
0x67: {  	_ =	shalt  }
0x68: {  	_ =	shalt  }
0x69: {  	_ =	shalt  }
0x6a: {  	_ =	shalt  }
0x6b: {  	_ =	shalt  }
0x6c: {  	_ =	shalt  }
0x6d: {  	_ =	shalt  }
0x6e: {  	_ =	shalt  }
0x6f: {  	_ =	shalt  }
0x70: {  	_ =	shalt  }
0x71: {  	_ =	shalt  }
0x72: {  	_ =	shalt  }
0x73: {  	_ =	shalt  }
0x74: {  	_ =	shalt  }
0x75: {  	_ =	shalt  }
0x76: {  	_ =	shalt  }
0x77: {  	_ =	shalt  }
0x78: {  	_ =	shalt  }
0x79: {  	_ =	shalt  }
0x7a: {  	_ =	shalt  }
0x7b: {  	_ =	shalt  }
0x7c: {  	_ =	shalt  }
0x7d: {  	_ =	shalt  }
0x7e: {  	_ =	shalt  }
0x7f: {  	_ =	shalt  }
0x80: {  	_ =	shalt  }
0x81: {  	_ =	shalt  }
0x82: {  	_ =	shalt  }
0x83: {  	_ =	shalt  }
0x84: {  	_ =	shalt  }
0x85: {  	_ =	shalt  }
0x86: {  	_ =	shalt  }
0x87: {  	_ =	shalt  }
.Lfunc_end0:
.L_simem_size_0:
called_computation_lowered:
.L_overlay_start_0:
0x88: {  	s2 =	sld [smem:$0x3FD9]  }
0x89: {  	s3 =	sld [smem:$0x3FFE];
	_ =	sdelay $0x1  }
0x8a: {  	s1 =	srdreg.scid  }
0x8b: {  	s0 =	sand.u32 $0x1, s1  }
0x8c: {  	s17 =	sshll.u32 s0, $0xA;
	s2 =	sadd.s32 s3, s2  }
0x8d: {  	s2 =	sadd.s32 s2, s17  }
0x8e: {  	[smem:$0x3FB5] =	sst s2  }
0x8f: {  	_ = 	snop  }
0x90: {  	s2 =	sld [smem:$0x3FC2]  }
0x91: {  	s18 =	sld [smem:$0x3FC1]  }
0x92: {  	s4 =	sld [smem:$0x3FD0];
	(tm) =	ssettm $0x1  }
0x93: {  	s5 =	sld [smem:$0x3FFB];
	_ =	sdelay $0x3  }
0x94: {  	_ =	strace s5  }
0x95: {  	s5 =	sld [smem:$0x3FFC];
	_ =	sdelay $0x3  }
0x96: {  	_ =	strace s5  }
0x97: {  	s5 =	sld [smem:$0x3FFD];
	_ =	sdelay $0x3  }
0x98: {  	_ =	strace s5  }
0x99: {  	_ =	strace $0x8FFFFFFF  }
0x9a: {  	s19 =	sld [smem:$0x3FDB];
	_ =	sdelay $0x1  }
0x9b: {  	s6 =	simm.s32 $_scs_section_size  }
0x9c: {  	s7 =	simm.s32 $_size__tile_overlayer_lowered;
	s8 =	simm.s32 $_tile_overlayer_lowered  }
0x9d: {  	s22 =	simm.s32 $0x1BFF;
	s21 =	sshll.u32 s8, $0x1;
	s5 =	sadd.s32 s6, s19  }
0x9e: {  	s9 =	simm.s32 $0x0;
	s20 =	sshll.u32 s7, $0x1;
	s7 =	sadd.s32 s21, s5  }
0x9f: {  	[timem:s9], [sflag:s22] =	dma.local [hbm:s7], s20  }
0xa0: {  	_ =	swait.ge [sflag:s22], s20  }
0xa1: {  	s6 =	ssub.s32 $0x0, s20;
	[sflag:s22] =	ssyncset.done $0x0  }
0xa2: {  	[sflag:s22] =	ssyncadd.s32 s6;
	_ =	sdelay $0x1  }
0xa3: {  	s23 =	simm.s32 $0x1B8B  }
0xa4: {  	_ =	swait.ge [sflag:s23], $0x1  }
0xa5: {  	[sflag:s23] =	ssyncset.done $0x0  }
0xa6: {  	s25 =	simm.s32 $0x1B8E;
	s24 =	sld [smem:$0x3FFE];
	[sflag:s23] =	ssyncadd.s32 $0xFFFFFFFF  }
0xa7: {  	s26 =	simm.s32 $execute0_lowered;
	[smem:$0x3FD2] =	sst s25  }
0xa8: {  	s7 =	sshll.u32 s26, $0x1;
	_ =	strace $0x80000046;
	[dreg:$0x1] =	wrdreg $0xFFFFFFFF  }
0xa9: {  	s28 =	simm.s32 $_size_execute0_lowered;
	s5 =	sadd.s32 s5, s7;
	[dreg:$0x0] =	wrdreg $0x0  }
0xaa: {  	s7 =	sshll.u32 s28, $0x1;
	[dreg:$0x2] =	wrdreg s5  }
0xab: {  	[dreg:$0x3] =	wrdreg s7  }
0xac: {  	[dreg:$0x4] =	wrdreg $0xC0  }
0xad: {  	_ =	task [dreg:s9], $0x5FFFF  }
0xae: {  	[dreg:$0x1] =	wrdreg $0xFFFFFFFF  }
0xaf: {  	[dreg:$0x0] =	wrdreg $0x60  }
0xb0: {  	[dreg:$0x2] =	wrdreg s2  }
0xb1: {  	[dreg:$0x3] =	wrdreg s18  }
0xb2: {  	[dreg:$0x4] =	wrdreg s4  }
0xb3: {  	[dreg:$0x5] =	wrdreg s24  }
0xb4: {  	[dreg:$0x6] =	wrdreg $0x9  }
0xb5: {  	_ =	task.clear_ibuf [dreg:s9], $0x7FFFF;
	_ =	strace $0x90000046  }
0xb6: {  	s29 =	simm.s32 $0x9;
	_ =	strace $0x80000048  }
0xb7: {  	_ =	swait.ge [sflag:s29], $0x1  }
0xb8: {  	[sflag:s29] =	ssyncadd.s32 $0xFFFFFFFF  }
0xb9: {  	_ =	strace $0x90000048  }
0xba: {  	_ =	sfence  }
0xbb: {  	s30 =	sld [smem:$0x0];
	_ =	sdelay $0x2  }
0xbc: {  	s31 =	sshll.u32 s1, $0xD;
	s1 =	sshrl.u32 s1, $0x2  }
0xbd: {  	s3 =	sand.u32 $0x4000, s31;
	s1 =	sadd.s32 s1, s30  }
0xbe: {  	s0 =	sor.u32 s3, s0;
	s1 =	sshll.u32 s1, $0x11  }
0xbf: {  	s0 =	sor.u32 s1, s0  }
0xc0: {  	s0 =	sadd.s32 $0x8F2B, s0  }
0xc1: {  	[sflag:s0] =	ssyncadd.remote.s32 $0x1  }
0xc2: {  	_ =	sfence.sel $0xFFFF  }
0xc3: {  	[dreg:$0x0] =	wrdreg $0xFFFFFFFF;
	(pc) =	sbr.abs _section_cstart, $3  }
0xc4: {  	[dreg:$0x1] =	wrdreg $0xFFFFFFFF  }
0xc5: {  	_ =	task.clear_ibuf [dreg:s9], $0x2FFFF;
	_ =	strace $0x9FFFFFFF  }
0xc6: {  	(tm) =	ssettm $0x7FFFFFFF  }
0xc7: {  	_ =	shalt  }
tec
execute0_lowered:
.L_overlay_start_1:
0x0: {  	(tag) =	ssettag $0x1  }
0x1: {  	s15 =	rddreg [dreg:$0x0]  }
0x2: {  	s29 =	rddreg [dreg:$0x1]  }
0x3: {  	s2 =	rddreg [dreg:$0x2]  }
0x4: {  	s30 =	rddreg [dreg:$0x3];
	s0 =	srdreg.scid  }
0x5: {  	s1 =	stileid.u32;
	s3 =	simm.s32 $0x0;
	s4 =	sand.u32 $0x1, s0  }
0x6: {  	s7 =	sshll.u32 s1, $0xA;
	[smem:$0x7FF] =	sst s3;
	s8 =	sshll.u32 s4, $0x9  }
0x7: {  	[dreg:$0xb] =	wrdreg s4;
	s0 =	sor.u32 s8, s7  }
0x8: {  	s9 =	sadd.s32 $0xF44600, s30;
	_ =	strace $0x80000047;
	s17 =	sshrl.u32 s0, $0x3  }
0x9: {  	s1 =	sor.u32 $0x100, s0;
	s31 =	sshll.u32 s0, $0x4;
	s5 =	sadd.s32 s15, s17  }
0xa: {  	s20 =	sshrl.u32 s1, $0x3;
	s0 =	sadd.s32 s9, s31;
	[dreg:$0x5] =	wrdreg s5  }
0xb: {  	s22 =	sor.u32 $0x800, s17;
	s10 =	sadd.s32 s15, s20;
	[dreg:$0x7] =	wrdreg s0  }
0xc: {  	s11 =	sadd.s32 s15, s22;
	[dreg:$0x6] =	wrdreg s10  }
0xd: {  	s1 =	sshll.u32 s1, $0x4;
	[dreg:$0x8] =	wrdreg s11  }
0xe: {  	s24 =	sor.u32 $0x820, s17;
	s12 =	sadd.s32 s9, s1;
	s13 =	rddreg [dreg:$0x5]  }
0xf: {  	s14 =	sadd.s32 s15, s24;
	[dreg:$0x9] =	wrdreg s12  }
0x10: {  	s4 =	simm.s32 $0x5;
	[dreg:$0xa] =	wrdreg s14  }
0x11: {  	[tilespmem:s3], [sflag:$0x5] =	stream.linear.gather [hbm4b:s13+s3], $0x100, $0x38;
	[tilespmem:$0x10200] =	vst v63  }
0x12: {  	_ =	swait.ge [sflag:s4], $0x100  }
0x13: {  	[sflag:s4] =	ssyncset.done $0x0  }
0x14: {  	s6 =	simm.s32 $0x200;
	s5 =	simm.s32 $0x100;
	[sflag:s4] =	ssyncadd.s32 $0xFFFFFF00  }
0x15: {  	[tilespmem:s6], [sflag:$0x1] =	stream.indirect.gather [hbm4b:s2+s5], $0x80, s3, s5, $0xb8;
	[tilespmem:$0x10200] =	vst v63  }
0x16: {  	s16 =	rddreg [dreg:$0x6]  }
0x17: {  	[tilespmem:s5], [sflag:$0x5] =	stream.linear.gather [hbm4b:s16+s3], $0x100, $0x38;
	[tilespmem:$0x10200] =	vst v63  }
0x18: {  	_ =	swait.ge [sflag:s4], $0x100  }
0x19: {  	[sflag:s4] =	ssyncset.done $0x0  }
0x1a: {  	s7 =	simm.s32 $0x8200;
	s8 =	simm.s32 $0x1;
	[sflag:s4] =	ssyncadd.s32 $0xFFFFFF00  }
0x1b: {  	[tilespmem:s7], [sflag:$0x2] =	stream.indirect.gather [hbm4b:s2+s5], $0x80, s5, s5, $0xb8;
	[tilespmem:$0x10200] =	vst v63  }
0x1c: {  	_ =	swait.ge [sflag:s8], $0x8000  }
0x1d: {  	[sflag:s8] =	ssyncset.done $0x0  }
0x1e: {  	s9 =	simm.s32 $0x3;
	s18 =	rddreg [dreg:$0x7];
	[sflag:s8] =	ssyncadd.s32 $0xFFFF8000  }
0x1f: {  	[hbm4b:s18+s3] =	stream.linear.scatter [tilespmem:s6], [sflag:$0x3], $0x8000, $0x38;
	[tilespmem:$0x10200] =	vst v63  }
0x20: {  	_ =	swait.ge [sflag:s9], $0x8000  }
0x21: {  	[sflag:s9] =	ssyncset.done $0x0  }
0x22: {  	s19 =	rddreg [dreg:$0x8];
	[sflag:s9] =	ssyncadd.s32 $0xFFFF8000  }
0x23: {  	[tilespmem:s3], [sflag:$0x5] =	stream.linear.gather [hbm4b:s19+s3], $0x100, $0x38;
	[tilespmem:$0x10200] =	vst v63  }
0x24: {  	_ =	swait.ge [sflag:s4], $0x100  }
0x25: {  	[sflag:s4] =	ssyncset.done $0x0  }
0x26: {  	s10 =	simm.s32 $0x2;
	[sflag:s4] =	ssyncadd.s32 $0xFFFFFF00  }
0x27: {  	[tilespmem:s6], [sflag:$0x1] =	stream.indirect.gather [hbm4b:s2+s5], $0x80, s3, s5, $0xb8;
	[tilespmem:$0x10200] =	vst v63  }
0x28: {  	_ =	swait.ge [sflag:s10], $0x8000  }
0x29: {  	[sflag:s10] =	ssyncset.done $0x0  }
0x2a: {  	s11 =	simm.s32 $0x4;
	s21 =	rddreg [dreg:$0x9];
	[sflag:s10] =	ssyncadd.s32 $0xFFFF8000  }
0x2b: {  	[hbm4b:s21+s3] =	stream.linear.scatter [tilespmem:s7], [sflag:$0x4], $0x8000, $0x38;
	[tilespmem:$0x10200] =	vst v63  }
0x2c: {  	_ =	swait.ge [sflag:s11], $0x8000  }
0x2d: {  	[sflag:s11] =	ssyncset.done $0x0  }
0x2e: {  	s23 =	rddreg [dreg:$0xa];
	[sflag:s11] =	ssyncadd.s32 $0xFFFF8000  }
0x2f: {  	[tilespmem:s5], [sflag:$0x5] =	stream.linear.gather [hbm4b:s23+s3], $0x100, $0x38;
	[tilespmem:$0x10200] =	vst v63  }
0x30: {  	_ =	swait.ge [sflag:s4], $0x100  }
0x31: {  	[sflag:s4] =	ssyncset.done $0x0  }
0x32: {  	[sflag:s4] =	ssyncadd.s32 $0xFFFFFF00  }
0x33: {  	[tilespmem:s7], [sflag:$0x2] =	stream.indirect.gather [hbm4b:s2+s5], $0x80, s5, s5, $0xb8;
	[tilespmem:$0x10200] =	vst v63  }
0x34: {  	_ =	swait.ge [sflag:s8], $0x8000  }
0x35: {  	s25 =	sadd.s32 $0xF84600, s30;
	[sflag:s8] =	ssyncset.done $0x0  }
0x36: {  	s12 =	sadd.s32 s31, s25;
	[sflag:s8] =	ssyncadd.s32 $0xFFFF8000  }
0x37: {  	[hbm4b:s12+s3] =	stream.linear.scatter [tilespmem:s6], [sflag:$0x3], $0x8000, $0x38;
	[tilespmem:$0x10200] =	vst v63  }
0x38: {  	_ =	swait.ge [sflag:s9], $0x8000  }
0x39: {  	s26 =	sor.u32 $0x1000, s17;
	[sflag:s9] =	ssyncset.done $0x0  }
0x3a: {  	s13 =	sadd.s32 s15, s26;
	[sflag:s9] =	ssyncadd.s32 $0xFFFF8000  }
0x3b: {  	[tilespmem:s3], [sflag:$0x5] =	stream.linear.gather [hbm4b:s13+s3], $0x100, $0x38;
	[tilespmem:$0x10200] =	vst v63  }
0x3c: {  	_ =	swait.ge [sflag:s4], $0x100  }
0x3d: {  	[sflag:s4] =	ssyncset.done $0x0  }
0x3e: {  	[sflag:s4] =	ssyncadd.s32 $0xFFFFFF00  }
0x3f: {  	[tilespmem:s6], [sflag:$0x1] =	stream.indirect.gather [hbm4b:s2+s5], $0x80, s3, s5, $0xb8;
	[tilespmem:$0x10200] =	vst v63  }
0x40: {  	_ =	swait.ge [sflag:s10], $0x8000  }
0x41: {  	[sflag:s10] =	ssyncset.done $0x0  }
0x42: {  	s14 =	sadd.s32 s1, s25;
	[sflag:s10] =	ssyncadd.s32 $0xFFFF8000  }
0x43: {  	[hbm4b:s14+s3] =	stream.linear.scatter [tilespmem:s7], [sflag:$0x4], $0x8000, $0x38;
	[tilespmem:$0x10200] =	vst v63  }
0x44: {  	_ =	swait.ge [sflag:s11], $0x8000  }
0x45: {  	s0 =	sor.u32 $0x1020, s17;
	[sflag:s11] =	ssyncset.done $0x0  }
0x46: {  	s15 =	sadd.s32 s15, s0;
	[sflag:s11] =	ssyncadd.s32 $0xFFFF8000  }
0x47: {  	[tilespmem:s5], [sflag:$0x5] =	stream.linear.gather [hbm4b:s15+s3], $0x100, $0x38;
	[tilespmem:$0x10200] =	vst v63  }
0x48: {  	_ =	swait.ge [sflag:s4], $0x100  }
0x49: {  	[sflag:s4] =	ssyncset.done $0x0  }
0x4a: {  	[sflag:s4] =	ssyncadd.s32 $0xFFFFFF00  }
0x4b: {  	[tilespmem:s7], [sflag:$0x2] =	stream.indirect.gather [hbm4b:s2+s5], $0x80, s5, s5, $0xb8;
	[tilespmem:$0x10200] =	vst v63  }
0x4c: {  	_ =	swait.ge [sflag:s8], $0x8000  }
0x4d: {  	s19 =	sadd.s32 $0xFC4600, s30;
	[sflag:s8] =	ssyncset.done $0x0  }
0x4e: {  	s16 =	sadd.s32 s31, s19;
	[sflag:s8] =	ssyncadd.s32 $0xFFFF8000  }
0x4f: {  	[hbm4b:s16+s3] =	stream.linear.scatter [tilespmem:s6], [sflag:$0x3], $0x8000, $0x38;
	[tilespmem:$0x10200] =	vst v63  }
0x50: {  	_ =	swait.ge [sflag:s9], $0x8000  }
0x51: {  	[sflag:s9] =	ssyncset.done $0x0  }
0x52: {  	s17 =	sadd.s32 s29, s17;
	[sflag:s9] =	ssyncadd.s32 $0xFFFF8000  }
0x53: {  	[tilespmem:s3], [sflag:$0x5] =	stream.linear.gather [hbm4b:s17+s3], $0x100, $0x38;
	[tilespmem:$0x10200] =	vst v63  }
0x54: {  	_ =	swait.ge [sflag:s4], $0x100  }
0x55: {  	[sflag:s4] =	ssyncset.done $0x0  }
0x56: {  	s18 =	sadd.s32 $0x2200, s30;
	[sflag:s4] =	ssyncadd.s32 $0xFFFFFF00  }
0x57: {  	[tilespmem:s6], [sflag:$0x1] =	stream.indirect.gather [hbm4b:s18+s5], $0x80, s3, s5, $0xb8;
	[tilespmem:$0x10200] =	vst v63  }
0x58: {  	_ =	swait.ge [sflag:s10], $0x8000  }
0x59: {  	[sflag:s10] =	ssyncset.done $0x0  }
0x5a: {  	s19 =	sadd.s32 s1, s19;
	[sflag:s10] =	ssyncadd.s32 $0xFFFF8000  }
0x5b: {  	[hbm4b:s19+s3] =	stream.linear.scatter [tilespmem:s7], [sflag:$0x4], $0x8000, $0x38;
	[tilespmem:$0x10200] =	vst v63  }
0x5c: {  	_ =	swait.ge [sflag:s11], $0x8000  }
0x5d: {  	[sflag:s11] =	ssyncset.done $0x0  }
0x5e: {  	s20 =	sadd.s32 s29, s20;
	[sflag:s11] =	ssyncadd.s32 $0xFFFF8000  }
0x5f: {  	[tilespmem:s5], [sflag:$0x5] =	stream.linear.gather [hbm4b:s20+s3], $0x100, $0x38;
	[tilespmem:$0x10200] =	vst v63  }
0x60: {  	_ =	swait.ge [sflag:s4], $0x100  }
0x61: {  	[sflag:s4] =	ssyncset.done $0x0  }
0x62: {  	[sflag:s4] =	ssyncadd.s32 $0xFFFFFF00  }
0x63: {  	[tilespmem:s7], [sflag:$0x2] =	stream.indirect.gather [hbm4b:s18+s5], $0x80, s5, s5, $0xb8;
	[tilespmem:$0x10200] =	vst v63  }
0x64: {  	_ =	swait.ge [sflag:s8], $0x8000  }
0x65: {  	s23 =	sadd.s32 $0x1004600, s30;
	[sflag:s8] =	ssyncset.done $0x0  }
0x66: {  	s21 =	sadd.s32 s31, s23;
	[sflag:s8] =	ssyncadd.s32 $0xFFFF8000  }
0x67: {  	[hbm4b:s21+s3] =	stream.linear.scatter [tilespmem:s6], [sflag:$0x3], $0x8000, $0x38;
	[tilespmem:$0x10200] =	vst v63  }
0x68: {  	_ =	swait.ge [sflag:s9], $0x8000  }
0x69: {  	[sflag:s9] =	ssyncset.done $0x0  }
0x6a: {  	s22 =	sadd.s32 s29, s22;
	[sflag:s9] =	ssyncadd.s32 $0xFFFF8000  }
0x6b: {  	[tilespmem:s3], [sflag:$0x5] =	stream.linear.gather [hbm4b:s22+s3], $0x100, $0x38;
	[tilespmem:$0x10200] =	vst v63  }
0x6c: {  	_ =	swait.ge [sflag:s4], $0x100  }
0x6d: {  	[sflag:s4] =	ssyncset.done $0x0  }
0x6e: {  	[sflag:s4] =	ssyncadd.s32 $0xFFFFFF00  }
0x6f: {  	[tilespmem:s6], [sflag:$0x1] =	stream.indirect.gather [hbm4b:s18+s5], $0x80, s3, s5, $0xb8;
	[tilespmem:$0x10200] =	vst v63  }
0x70: {  	_ =	swait.ge [sflag:s10], $0x8000  }
0x71: {  	[sflag:s10] =	ssyncset.done $0x0  }
0x72: {  	s23 =	sadd.s32 s1, s23;
	[sflag:s10] =	ssyncadd.s32 $0xFFFF8000  }
0x73: {  	[hbm4b:s23+s3] =	stream.linear.scatter [tilespmem:s7], [sflag:$0x4], $0x8000, $0x38;
	[tilespmem:$0x10200] =	vst v63  }
0x74: {  	_ =	swait.ge [sflag:s11], $0x8000  }
0x75: {  	[sflag:s11] =	ssyncset.done $0x0  }
0x76: {  	s24 =	sadd.s32 s29, s24;
	[sflag:s11] =	ssyncadd.s32 $0xFFFF8000  }
0x77: {  	[tilespmem:s5], [sflag:$0x5] =	stream.linear.gather [hbm4b:s24+s3], $0x100, $0x38;
	[tilespmem:$0x10200] =	vst v63  }
0x78: {  	_ =	swait.ge [sflag:s4], $0x100  }
0x79: {  	[sflag:s4] =	ssyncset.done $0x0  }
0x7a: {  	[sflag:s4] =	ssyncadd.s32 $0xFFFFFF00  }
0x7b: {  	[tilespmem:s7], [sflag:$0x2] =	stream.indirect.gather [hbm4b:s18+s5], $0x80, s5, s5, $0xb8;
	[tilespmem:$0x10200] =	vst v63  }
0x7c: {  	_ =	swait.ge [sflag:s8], $0x8000  }
0x7d: {  	s28 =	sadd.s32 $0x1044600, s30;
	[sflag:s8] =	ssyncset.done $0x0  }
0x7e: {  	s25 =	sadd.s32 s31, s28;
	[sflag:s8] =	ssyncadd.s32 $0xFFFF8000  }
0x7f: {  	[hbm4b:s25+s3] =	stream.linear.scatter [tilespmem:s6], [sflag:$0x3], $0x8000, $0x38;
	[tilespmem:$0x10200] =	vst v63  }
0x80: {  	_ =	swait.ge [sflag:s9], $0x8000  }
0x81: {  	[sflag:s9] =	ssyncset.done $0x0  }
0x82: {  	s26 =	sadd.s32 s29, s26;
	[sflag:s9] =	ssyncadd.s32 $0xFFFF8000  }
0x83: {  	[tilespmem:s3], [sflag:$0x5] =	stream.linear.gather [hbm4b:s26+s3], $0x100, $0x38;
	[tilespmem:$0x10200] =	vst v63  }
0x84: {  	_ =	swait.ge [sflag:s4], $0x100  }
0x85: {  	[sflag:s4] =	ssyncset.done $0x0  }
0x86: {  	[sflag:s4] =	ssyncadd.s32 $0xFFFFFF00  }
0x87: {  	[tilespmem:s6], [sflag:$0x1] =	stream.indirect.gather [hbm4b:s18+s5], $0x80, s3, s5, $0xb8;
	[tilespmem:$0x10200] =	vst v63  }
0x88: {  	_ =	swait.ge [sflag:s10], $0x8000  }
0x89: {  	[sflag:s10] =	ssyncset.done $0x0  }
0x8a: {  	s28 =	sadd.s32 s1, s28;
	[sflag:s10] =	ssyncadd.s32 $0xFFFF8000  }
0x8b: {  	[hbm4b:s28+s3] =	stream.linear.scatter [tilespmem:s7], [sflag:$0x4], $0x8000, $0x38;
	[tilespmem:$0x10200] =	vst v63  }
0x8c: {  	_ =	swait.ge [sflag:s11], $0x8000  }
0x8d: {  	[sflag:s11] =	ssyncset.done $0x0  }
0x8e: {  	s29 =	sadd.s32 s29, s0;
	[sflag:s11] =	ssyncadd.s32 $0xFFFF8000  }
0x8f: {  	[tilespmem:s5], [sflag:$0x5] =	stream.linear.gather [hbm4b:s29+s3], $0x100, $0x38;
	[tilespmem:$0x10200] =	vst v63  }
0x90: {  	_ =	swait.ge [sflag:s4], $0x100  }
0x91: {  	[sflag:s4] =	ssyncset.done $0x0  }
0x92: {  	[sflag:s4] =	ssyncadd.s32 $0xFFFFFF00  }
0x93: {  	[tilespmem:s7], [sflag:$0x2] =	stream.indirect.gather [hbm4b:s18+s5], $0x80, s5, s5, $0xb8;
	[tilespmem:$0x10200] =	vst v63  }
0x94: {  	_ =	swait.ge [sflag:s8], $0x8000  }
0x95: {  	s0 =	sadd.s32 $0x1084600, s30;
	[sflag:s8] =	ssyncset.done $0x0  }
0x96: {  	s30 =	sadd.s32 s31, s0;
	[sflag:s8] =	ssyncadd.s32 $0xFFFF8000  }
0x97: {  	[hbm4b:s30+s3] =	stream.linear.scatter [tilespmem:s6], [sflag:$0x3], $0x8000, $0x38;
	[tilespmem:$0x10200] =	vst v63  }
0x98: {  	_ =	swait.ge [sflag:s10], $0x8000  }
0x99: {  	s31 =	sadd.s32 s1, s0;
	[sflag:s10] =	ssyncset.done $0x0;
	s1 =	rddreg [dreg:$0xb]  }
0x9a: {  	s0 =	ssub.s32 $0x2, s1;
	[sflag:s10] =	ssyncadd.s32 $0xFFFF8000  }
0x9b: {  	[hbm4b:s31+s3] =	stream.linear.scatter [tilespmem:s7], [sflag:$0x4], $0x8000, $0x38;
	[tilespmem:$0x10200] =	vst v63  }
0x9c: {  	s1 =	sshrl.u32 s0, $0x1  }
0x9d: {  	s0 =	ssub.s32 s0, s1  }
0x9e: {  	s0 =	smax.u32 s0, $0x1  }
0x9f: {  	p0 =	sne.s32 s0, $0x1  }
.Ltmp0:
0xa0: {  	_ =	swait.ge [sflag:s9], $0x8000;
	(pc) =	sbr.rel @!p0 .LBB2_2-.Ltmp0, $4  }
0xa1: {  	[sflag:s9] =	ssyncset.done $0x0  }
0xa2: {  	[sflag:s9] =	ssyncadd.s32 $0xFFFF8000  }
0xa3: {  	_ =	swait.ge [sflag:s11], $0x8000  }
0xa4: {  	s0 =	sadd.s32 $0xFFFFFFFF, s0;
	[sflag:s11] =	ssyncset.done $0x0  }
.LBB2_1:
0xa5: {  	s1 =	rddreg [dreg:$0x5];
	[sflag:s11] =	ssyncadd.s32 $0xFFFF8000  }
0xa6: {  	[tilespmem:s3], [sflag:$0x5] =	stream.linear.gather [hbm4b:s1+s3], $0x100, $0x38;
	[tilespmem:$0x10200] =	vst v63  }
0xa7: {  	_ =	swait.ge [sflag:s4], $0x100  }
0xa8: {  	[sflag:s4] =	ssyncset.done $0x0  }
0xa9: {  	[sflag:s4] =	ssyncadd.s32 $0xFFFFFF00  }
0xaa: {  	[tilespmem:s6], [sflag:$0x1] =	stream.indirect.gather [hbm4b:s2+s5], $0x80, s3, s5, $0xb8;
	[tilespmem:$0x10200] =	vst v63  }
0xab: {  	s1 =	rddreg [dreg:$0x6]  }
0xac: {  	[tilespmem:s5], [sflag:$0x5] =	stream.linear.gather [hbm4b:s1+s3], $0x100, $0x38;
	[tilespmem:$0x10200] =	vst v63  }
0xad: {  	_ =	swait.ge [sflag:s4], $0x100  }
0xae: {  	[sflag:s4] =	ssyncset.done $0x0  }
0xaf: {  	[sflag:s4] =	ssyncadd.s32 $0xFFFFFF00  }
0xb0: {  	[tilespmem:s7], [sflag:$0x2] =	stream.indirect.gather [hbm4b:s2+s5], $0x80, s5, s5, $0xb8;
	[tilespmem:$0x10200] =	vst v63  }
0xb1: {  	_ =	swait.ge [sflag:s8], $0x8000  }
0xb2: {  	[sflag:s8] =	ssyncset.done $0x0  }
0xb3: {  	s1 =	rddreg [dreg:$0x7];
	[sflag:s8] =	ssyncadd.s32 $0xFFFF8000  }
0xb4: {  	[hbm4b:s1+s3] =	stream.linear.scatter [tilespmem:s6], [sflag:$0x3], $0x8000, $0x38;
	[tilespmem:$0x10200] =	vst v63  }
0xb5: {  	_ =	swait.ge [sflag:s9], $0x8000  }
0xb6: {  	[sflag:s9] =	ssyncset.done $0x0  }
0xb7: {  	s1 =	rddreg [dreg:$0x8];
	[sflag:s9] =	ssyncadd.s32 $0xFFFF8000  }
0xb8: {  	[tilespmem:s3], [sflag:$0x5] =	stream.linear.gather [hbm4b:s1+s3], $0x100, $0x38;
	[tilespmem:$0x10200] =	vst v63  }
0xb9: {  	_ =	swait.ge [sflag:s4], $0x100  }
0xba: {  	[sflag:s4] =	ssyncset.done $0x0  }
0xbb: {  	[sflag:s4] =	ssyncadd.s32 $0xFFFFFF00  }
0xbc: {  	[tilespmem:s6], [sflag:$0x1] =	stream.indirect.gather [hbm4b:s2+s5], $0x80, s3, s5, $0xb8;
	[tilespmem:$0x10200] =	vst v63  }
0xbd: {  	_ =	swait.ge [sflag:s10], $0x8000  }
0xbe: {  	[sflag:s10] =	ssyncset.done $0x0  }
0xbf: {  	s1 =	rddreg [dreg:$0x9];
	[sflag:s10] =	ssyncadd.s32 $0xFFFF8000  }
0xc0: {  	[hbm4b:s1+s3] =	stream.linear.scatter [tilespmem:s7], [sflag:$0x4], $0x8000, $0x38;
	[tilespmem:$0x10200] =	vst v63  }
0xc1: {  	_ =	swait.ge [sflag:s11], $0x8000  }
0xc2: {  	[sflag:s11] =	ssyncset.done $0x0  }
0xc3: {  	s1 =	rddreg [dreg:$0xa];
	[sflag:s11] =	ssyncadd.s32 $0xFFFF8000  }
0xc4: {  	[tilespmem:s5], [sflag:$0x5] =	stream.linear.gather [hbm4b:s1+s3], $0x100, $0x38;
	[tilespmem:$0x10200] =	vst v63  }
0xc5: {  	_ =	swait.ge [sflag:s4], $0x100  }
0xc6: {  	[sflag:s4] =	ssyncset.done $0x0  }
0xc7: {  	[sflag:s4] =	ssyncadd.s32 $0xFFFFFF00  }
0xc8: {  	[tilespmem:s7], [sflag:$0x2] =	stream.indirect.gather [hbm4b:s2+s5], $0x80, s5, s5, $0xb8;
	[tilespmem:$0x10200] =	vst v63  }
0xc9: {  	_ =	swait.ge [sflag:s8], $0x8000  }
0xca: {  	[sflag:s8] =	ssyncset.done $0x0  }
0xcb: {  	[sflag:s8] =	ssyncadd.s32 $0xFFFF8000  }
0xcc: {  	[hbm4b:s12+s3] =	stream.linear.scatter [tilespmem:s6], [sflag:$0x3], $0x8000, $0x38;
	[tilespmem:$0x10200] =	vst v63  }
0xcd: {  	_ =	swait.ge [sflag:s9], $0x8000  }
0xce: {  	[sflag:s9] =	ssyncset.done $0x0  }
0xcf: {  	[sflag:s9] =	ssyncadd.s32 $0xFFFF8000  }
0xd0: {  	[tilespmem:s3], [sflag:$0x5] =	stream.linear.gather [hbm4b:s13+s3], $0x100, $0x38;
	[tilespmem:$0x10200] =	vst v63  }
0xd1: {  	_ =	swait.ge [sflag:s4], $0x100  }
0xd2: {  	[sflag:s4] =	ssyncset.done $0x0  }
0xd3: {  	[sflag:s4] =	ssyncadd.s32 $0xFFFFFF00  }
0xd4: {  	[tilespmem:s6], [sflag:$0x1] =	stream.indirect.gather [hbm4b:s2+s5], $0x80, s3, s5, $0xb8;
	[tilespmem:$0x10200] =	vst v63  }
0xd5: {  	_ =	swait.ge [sflag:s10], $0x8000  }
0xd6: {  	[sflag:s10] =	ssyncset.done $0x0  }
0xd7: {  	[sflag:s10] =	ssyncadd.s32 $0xFFFF8000  }
0xd8: {  	[hbm4b:s14+s3] =	stream.linear.scatter [tilespmem:s7], [sflag:$0x4], $0x8000, $0x38;
	[tilespmem:$0x10200] =	vst v63  }
0xd9: {  	_ =	swait.ge [sflag:s11], $0x8000  }
0xda: {  	[sflag:s11] =	ssyncset.done $0x0  }
0xdb: {  	[sflag:s11] =	ssyncadd.s32 $0xFFFF8000  }
0xdc: {  	[tilespmem:s5], [sflag:$0x5] =	stream.linear.gather [hbm4b:s15+s3], $0x100, $0x38;
	[tilespmem:$0x10200] =	vst v63  }
0xdd: {  	_ =	swait.ge [sflag:s4], $0x100  }
0xde: {  	[sflag:s4] =	ssyncset.done $0x0  }
0xdf: {  	[sflag:s4] =	ssyncadd.s32 $0xFFFFFF00  }
0xe0: {  	[tilespmem:s7], [sflag:$0x2] =	stream.indirect.gather [hbm4b:s2+s5], $0x80, s5, s5, $0xb8;
	[tilespmem:$0x10200] =	vst v63  }
0xe1: {  	_ =	swait.ge [sflag:s8], $0x8000  }
0xe2: {  	[sflag:s8] =	ssyncset.done $0x0  }
0xe3: {  	[sflag:s8] =	ssyncadd.s32 $0xFFFF8000  }
0xe4: {  	[hbm4b:s16+s3] =	stream.linear.scatter [tilespmem:s6], [sflag:$0x3], $0x8000, $0x38;
	[tilespmem:$0x10200] =	vst v63  }
0xe5: {  	_ =	swait.ge [sflag:s9], $0x8000  }
0xe6: {  	[sflag:s9] =	ssyncset.done $0x0  }
0xe7: {  	[sflag:s9] =	ssyncadd.s32 $0xFFFF8000  }
0xe8: {  	[tilespmem:s3], [sflag:$0x5] =	stream.linear.gather [hbm4b:s17+s3], $0x100, $0x38;
	[tilespmem:$0x10200] =	vst v63  }
0xe9: {  	_ =	swait.ge [sflag:s4], $0x100  }
0xea: {  	[sflag:s4] =	ssyncset.done $0x0  }
0xeb: {  	[sflag:s4] =	ssyncadd.s32 $0xFFFFFF00  }
0xec: {  	[tilespmem:s6], [sflag:$0x1] =	stream.indirect.gather [hbm4b:s18+s5], $0x80, s3, s5, $0xb8;
	[tilespmem:$0x10200] =	vst v63  }
0xed: {  	_ =	swait.ge [sflag:s10], $0x8000  }
0xee: {  	[sflag:s10] =	ssyncset.done $0x0  }
0xef: {  	[sflag:s10] =	ssyncadd.s32 $0xFFFF8000  }
0xf0: {  	[hbm4b:s19+s3] =	stream.linear.scatter [tilespmem:s7], [sflag:$0x4], $0x8000, $0x38;
	[tilespmem:$0x10200] =	vst v63  }
0xf1: {  	_ =	swait.ge [sflag:s11], $0x8000  }
0xf2: {  	[sflag:s11] =	ssyncset.done $0x0  }
0xf3: {  	[sflag:s11] =	ssyncadd.s32 $0xFFFF8000  }
0xf4: {  	[tilespmem:s5], [sflag:$0x5] =	stream.linear.gather [hbm4b:s20+s3], $0x100, $0x38;
	[tilespmem:$0x10200] =	vst v63  }
0xf5: {  	_ =	swait.ge [sflag:s4], $0x100  }
0xf6: {  	[sflag:s4] =	ssyncset.done $0x0  }
0xf7: {  	[sflag:s4] =	ssyncadd.s32 $0xFFFFFF00  }
0xf8: {  	[tilespmem:s7], [sflag:$0x2] =	stream.indirect.gather [hbm4b:s18+s5], $0x80, s5, s5, $0xb8;
	[tilespmem:$0x10200] =	vst v63  }
0xf9: {  	_ =	swait.ge [sflag:s8], $0x8000  }
0xfa: {  	[sflag:s8] =	ssyncset.done $0x0  }
0xfb: {  	[sflag:s8] =	ssyncadd.s32 $0xFFFF8000  }
0xfc: {  	[hbm4b:s21+s3] =	stream.linear.scatter [tilespmem:s6], [sflag:$0x3], $0x8000, $0x38;
	[tilespmem:$0x10200] =	vst v63  }
0xfd: {  	_ =	swait.ge [sflag:s9], $0x8000  }
0xfe: {  	[sflag:s9] =	ssyncset.done $0x0  }
0xff: {  	[sflag:s9] =	ssyncadd.s32 $0xFFFF8000  }
0x100: {  	[tilespmem:s3], [sflag:$0x5] =	stream.linear.gather [hbm4b:s22+s3], $0x100, $0x38;
	[tilespmem:$0x10200] =	vst v63  }
0x101: {  	_ =	swait.ge [sflag:s4], $0x100  }
0x102: {  	[sflag:s4] =	ssyncset.done $0x0  }
0x103: {  	[sflag:s4] =	ssyncadd.s32 $0xFFFFFF00  }
0x104: {  	[tilespmem:s6], [sflag:$0x1] =	stream.indirect.gather [hbm4b:s18+s5], $0x80, s3, s5, $0xb8;
	[tilespmem:$0x10200] =	vst v63  }
0x105: {  	_ =	swait.ge [sflag:s10], $0x8000  }
0x106: {  	[sflag:s10] =	ssyncset.done $0x0  }
0x107: {  	[sflag:s10] =	ssyncadd.s32 $0xFFFF8000  }
0x108: {  	[hbm4b:s23+s3] =	stream.linear.scatter [tilespmem:s7], [sflag:$0x4], $0x8000, $0x38;
	[tilespmem:$0x10200] =	vst v63  }
0x109: {  	_ =	swait.ge [sflag:s11], $0x8000  }
0x10a: {  	[sflag:s11] =	ssyncset.done $0x0  }
0x10b: {  	[sflag:s11] =	ssyncadd.s32 $0xFFFF8000  }
0x10c: {  	[tilespmem:s5], [sflag:$0x5] =	stream.linear.gather [hbm4b:s24+s3], $0x100, $0x38;
	[tilespmem:$0x10200] =	vst v63  }
0x10d: {  	_ =	swait.ge [sflag:s4], $0x100  }
0x10e: {  	[sflag:s4] =	ssyncset.done $0x0  }
0x10f: {  	[sflag:s4] =	ssyncadd.s32 $0xFFFFFF00  }
0x110: {  	[tilespmem:s7], [sflag:$0x2] =	stream.indirect.gather [hbm4b:s18+s5], $0x80, s5, s5, $0xb8;
	[tilespmem:$0x10200] =	vst v63  }
0x111: {  	_ =	swait.ge [sflag:s8], $0x8000  }
0x112: {  	[sflag:s8] =	ssyncset.done $0x0  }
0x113: {  	[sflag:s8] =	ssyncadd.s32 $0xFFFF8000  }
0x114: {  	[hbm4b:s25+s3] =	stream.linear.scatter [tilespmem:s6], [sflag:$0x3], $0x8000, $0x38;
	[tilespmem:$0x10200] =	vst v63  }
0x115: {  	_ =	swait.ge [sflag:s9], $0x8000  }
0x116: {  	[sflag:s9] =	ssyncset.done $0x0  }
0x117: {  	[sflag:s9] =	ssyncadd.s32 $0xFFFF8000  }
0x118: {  	[tilespmem:s3], [sflag:$0x5] =	stream.linear.gather [hbm4b:s26+s3], $0x100, $0x38;
	[tilespmem:$0x10200] =	vst v63  }
0x119: {  	_ =	swait.ge [sflag:s4], $0x100  }
0x11a: {  	[sflag:s4] =	ssyncset.done $0x0  }
0x11b: {  	[sflag:s4] =	ssyncadd.s32 $0xFFFFFF00  }
0x11c: {  	[tilespmem:s6], [sflag:$0x1] =	stream.indirect.gather [hbm4b:s18+s5], $0x80, s3, s5, $0xb8;
	[tilespmem:$0x10200] =	vst v63  }
0x11d: {  	_ =	swait.ge [sflag:s10], $0x8000  }
0x11e: {  	[sflag:s10] =	ssyncset.done $0x0  }
0x11f: {  	[sflag:s10] =	ssyncadd.s32 $0xFFFF8000  }
0x120: {  	[hbm4b:s28+s3] =	stream.linear.scatter [tilespmem:s7], [sflag:$0x4], $0x8000, $0x38;
	[tilespmem:$0x10200] =	vst v63  }
0x121: {  	_ =	swait.ge [sflag:s11], $0x8000  }
0x122: {  	[sflag:s11] =	ssyncset.done $0x0  }
0x123: {  	[sflag:s11] =	ssyncadd.s32 $0xFFFF8000  }
0x124: {  	[tilespmem:s5], [sflag:$0x5] =	stream.linear.gather [hbm4b:s29+s3], $0x100, $0x38;
	[tilespmem:$0x10200] =	vst v63  }
0x125: {  	_ =	swait.ge [sflag:s4], $0x100  }
0x126: {  	[sflag:s4] =	ssyncset.done $0x0  }
0x127: {  	[sflag:s4] =	ssyncadd.s32 $0xFFFFFF00  }
0x128: {  	[tilespmem:s7], [sflag:$0x2] =	stream.indirect.gather [hbm4b:s18+s5], $0x80, s5, s5, $0xb8;
	[tilespmem:$0x10200] =	vst v63  }
0x129: {  	_ =	swait.ge [sflag:s8], $0x8000  }
0x12a: {  	[sflag:s8] =	ssyncset.done $0x0  }
0x12b: {  	[sflag:s8] =	ssyncadd.s32 $0xFFFF8000  }
0x12c: {  	[hbm4b:s30+s3] =	stream.linear.scatter [tilespmem:s6], [sflag:$0x3], $0x8000, $0x38;
	[tilespmem:$0x10200] =	vst v63  }
0x12d: {  	_ =	swait.ge [sflag:s10], $0x8000  }
0x12e: {  	[sflag:s10] =	ssyncset.done $0x0  }
0x12f: {  	p0 =	sne.s32 s0, $0x1;
	[sflag:s10] =	ssyncadd.s32 $0xFFFF8000  }
0x130: {  	[hbm4b:s31+s3] =	stream.linear.scatter [tilespmem:s7], [sflag:$0x4], $0x8000, $0x38;
	[tilespmem:$0x10200] =	vst v63  }
.Ltmp1:
0x131: {  	_ =	swait.ge [sflag:s9], $0x8000;
	(pc) =	sbr.rel @p0 .LBB2_1-.Ltmp1, $4  }
0x132: {  	[sflag:s9] =	ssyncset.done $0x0  }
0x133: {  	[sflag:s9] =	ssyncadd.s32 $0xFFFF8000  }
0x134: {  	_ =	swait.ge [sflag:s11], $0x8000  }
0x135: {  	s0 =	sadd.s32 $0xFFFFFFFF, s0;
	[sflag:s11] =	ssyncset.done $0x0  }
.LBB2_2:
0x136: {  	[sflag:s11] =	ssyncadd.s32 $0xFFFF8000  }
0x137: {  	_ =	sfence.sel $0x180000  }
0x138: {  	[bflag:$0x0] =	sbarrier.arrive $0xFFFF  }
0x139: {  	_ =	strace $0x90000047  }
0x13a: {  	s0 =	stileid.u32;
	[bflag:$0x2] =	sbarrier.arrive $0xFFFF  }
0x13b: {  	p0 =	sne.s32 s0, $0x0;
	s0 =	rddreg [dreg:$0x4]  }
0x13c: {  	s0 =	sadd.s32 @!p0 $0x100000, s0  }
0x13d: {  	[sflag:s0] =	ssyncadd.tile.s32 @!p0 $0x1;
	_ =	shalt  }
.Lfunc_end2:
_tile_overlayer_lowered:
.L_overlay_start_2:
0x13e: {  	(tag) =	ssettag $0x2  }
0x13f: {  	s0 =	rddreg [dreg:$0x0];
	s2 =	stileid.u32  }
0x140: {  	s1 =	rddreg [dreg:$0x1];
	p0 =	sne.s32 s2, $0x0  }
0x141: {  	s3 =	rddreg [dreg:$0x2];
	[bflag:$0x3] =	sbarrier.arrive $0xFFFF;
	s2 =	simm.s32 @!p0 $0x1C05  }
0x142: {  	[timem:s3], [sflag:s2] =	dma.local @!p0 [hbm:s0], s1  }
0x143: {  	s0 =	simm.s32 @!p0 $0x5  }
0x144: {  	_ =	swait.ge @!p0 [sflag:s0], s1  }
0x145: {  	s1 =	ssub.s32 @!p0 $0x0, s1;
	[sflag:s0] =	ssyncset.done @!p0 $0x0  }
0x146: {  	[sflag:s0] =	ssyncadd.s32 @!p0 s1  }
0x147: {  	[bflag:$0x3] =	sbarrier.arrive $0xFFFF  }
0x148: {  	_ =	shalt  }

</sc_bundles>
